<compile_context>
chip_gen: v7x
topology: tpu7x:2x2x1
jax: 0.10.2.dev20260603
libtpu: 0.0.44.dev20260713+nightly
codegen_flags: <defaults>
</compile_context>

<pallas_src>
import functools

import jax
import jax.numpy as jnp
from jax import lax
from jax.experimental import pallas as pl
from jax.experimental.pallas import tpu as pltpu
from jax.experimental.pallas import tpu_sc as plsc

_SIZE = 1024
_SCALE = 1024.0
_MAGIC = 8388608.0
_NC = 2
_NS = 16
_LANES = 16


def _make_sc_call(batch, h, w, rows_per_chunk, out_shape):
    hw = h * w
    n_total = batch * hw
    nw = _NC * _NS
    per_w = n_total // nw
    chunk = rows_per_chunk * w
    n_chunks = per_w // chunk
    mesh = plsc.VectorSubcoreMesh(
        core_axis_name="c", subcore_axis_name="s",
        num_cores=_NC, num_subcores=_NS)

    @functools.partial(
        pl.kernel,
        mesh=mesh,
        compiler_params=pltpu.CompilerParams(needs_layout_passes=False),
        out_type=jax.ShapeDtypeStruct(out_shape, jnp.float32),
        scratch_types=[
            pltpu.VMEM((_SIZE,), jnp.float32),
            pltpu.VMEM((_SIZE,), jnp.float32),
            pltpu.VMEM((_SIZE,), jnp.float32),
            (pltpu.VMEM((rows_per_chunk, w), jnp.float32),) * 2,
            (pltpu.VMEM((rows_per_chunk, w), jnp.float32),) * 2,
            (pltpu.VMEM((rows_per_chunk, w), jnp.float32),) * 2,
            (pltpu.VMEM((rows_per_chunk, w), jnp.float32),) * 2,
            pltpu.SemaphoreType.DMA,
            (pltpu.SemaphoreType.DMA,) * 2,
            (pltpu.SemaphoreType.DMA,) * 2,
        ],
    )
    def sc_colormap(x_nat, pal_hbm, out_nat, pal_r, pal_g, pal_b,
                    xring, o_r, o_g, o_b, pal_sem, in_sems, out_sems):
        x_hbm = x_nat.reshape(batch * h, w)
        out_hbm = out_nat.reshape(batch * 3 * h, w)
        cid = lax.axis_index("c")
        sid = lax.axis_index("s")
        wid = cid * _NS + sid
        pal_descs = [
            pltpu.async_copy(pal_hbm.at[pl.ds(c * _SIZE, _SIZE)], dst, pal_sem)
            for c, dst in enumerate((pal_r, pal_g, pal_b))]

        in_base = wid * per_w
        img = wid * per_w // hw
        rem_rows = (in_base - img * hw) // w
        in_row = pl.multiple_of(img * h + rem_rows, rows_per_chunk)
        out_row = pl.multiple_of(img * 3 * h + rem_rows, rows_per_chunk)

        xbufs = list(xring)
        obufs = [[o_r[p], o_g[p], o_b[p]] for p in (0, 1)]

        def start_in(j, p):
            row = pl.multiple_of(in_row + j * rows_per_chunk, rows_per_chunk)
            pltpu.async_copy(
                x_hbm.at[pl.ds(row, rows_per_chunk)], xbufs[p], in_sems[p])

        def start_out(j, p):
            row = pl.multiple_of(out_row + j * rows_per_chunk, rows_per_chunk)
            for c in range(3):
                pltpu.async_copy(
                    obufs[p][c],
                    out_hbm.at[pl.ds(row + c * h, rows_per_chunk)],
                    out_sems[p])

        def wait_in(p):
            pltpu.make_async_copy(
                x_hbm.at[pl.ds(0, rows_per_chunk)], xbufs[p],
                in_sems[p]).wait()

        def wait_out(p):
            for c in range(3):
                pltpu.make_async_copy(
                    obufs[p][c], out_hbm.at[pl.ds(0, rows_per_chunk)],
                    out_sems[p]).wait()

        def compute(p):
            xb = xbufs[p]
            ob = obufs[p]

            def row_body(r, carry):
                @plsc.parallel_loop(0, w, step=_LANES, unroll=4)
                def _(i):
                    sl = pl.ds(i, _LANES)
                    t = xb[r, sl] * _SCALE
                    rr = (t + _MAGIC) - _MAGIC
                    rr = jnp.minimum(jnp.maximum(rr, 0.0), float(_SIZE - 1))
                    idx = rr.astype(jnp.int32)
                    ob[0][r, sl] = plsc.load_gather(pal_r, [idx])
                    ob[1][r, sl] = plsc.load_gather(pal_g, [idx])
                    ob[2][r, sl] = plsc.load_gather(pal_b, [idx])
                return carry

            lax.fori_loop(0, rows_per_chunk, row_body, 0)

        start_in(0, 0)
        start_in(1, 1)
        for d in pal_descs:
            d.wait()

        def pair_body(g, carry):
            for p in (0, 1):
                j = 2 * g + p
                wait_in(p)

                @pl.when(g > 0)
                def _():
                    wait_out(p)

                compute(p)
                start_out(j, p)

                @pl.when(j + 2 < n_chunks)
                def _():
                    start_in(j + 2, p)

            return carry

        lax.fori_loop(0, n_chunks // 2, pair_body, 0)
        wait_out(0)
        wait_out(1)

    return sc_colormap


def kernel(x, palette):
    b, h, w = x.shape
    call = _make_sc_call(b, h, w, 16, (b, 3, h, w))
    pal_t = palette.T.reshape(-1).astype(jnp.float32)
    return call(x, pal_t)

# --- scband reference (transcript-rebuilt; emitter-appended) ---
"""Pipeline reference for scband-colormap-38706245272280 (READ-ONLY COPY).

The authoritative reference and input builder live on the scoring server;
editing this copy changes nothing except your own understanding.
"""

import jax, jax.numpy as jnp
import numpy as np

VALUES = np.array([0.0, 0.25, 0.5, 0.75, 1.0], dtype=np.float64)
COLORS = np.array([[0.0, 0.0, 0.5], [0.0, 0.5, 1.0], [0.5, 1.0, 0.5], [1.0, 0.5, 0.0], [0.5, 0.0, 0.0]], dtype=np.float64)
SIZE = 1024
LOW = float(VALUES[0])
HIGH = float(VALUES[-1])
SCALE = SIZE / (HIGH - LOW)


def _build_palette():
    xs = np.arange(LOW, HIGH, step=1.0 / SCALE)
    palette = np.stack((np.interp(x=xs, xp=VALUES, fp=COLORS[:, 0]),
                        np.interp(x=xs, xp=VALUES, fp=COLORS[:, 1]),
                        np.interp(x=xs, xp=VALUES, fp=COLORS[:, 2])), axis=-1)
    return jnp.asarray(palette.astype(np.float32))


def setup_inputs(seed: int = 0) -> dict:
    key = jax.random.key(seed)
    x = jax.random.uniform(key, (16, 512, 512), dtype=jnp.float32)
    palette = _build_palette()
    return {"x": x, "palette": palette}


def reference(x, palette):
    idx = jax.lax.stop_gradient(
        jnp.clip(jnp.round((x - LOW) * SCALE), 0, SIZE - 1).astype(jnp.int32))
    out = jnp.take(palette, idx, axis=0)  # [B, H, W, 3]
    out = jnp.swapaxes(out, -1, -2)       # [B, H, 3, W]
    out = jnp.swapaxes(out, -2, -3)       # [B, 3, H, W]
    return out

if __name__ == "__main__":
    import jax
    _d = setup_inputs()
    print(jax.jit(kernel)(*tuple(_d.values())))

</pallas_src>

<mosaic_0001>
#map = affine_map<(d0, d1) -> (0, 0, 0)>
#map1 = affine_map<(d0, d1) -> (0)>
#map2 = affine_map<(d0, d1) -> (0, 0, 0, 0)>
module attributes {stable_mosaic.version = 14 : i64} {
  func.func @sc_colormap(%arg0: i32, %arg1: i32, %arg2: memref<16x512x512xf32, #tpu.memory_space<hbm>>, %arg3: memref<3072xf32, #tpu.memory_space<hbm>>, %arg4: memref<16x3x512x512xf32, #tpu.memory_space<hbm>>, %arg5: memref<1024xf32, #tpu.memory_space<vmem>>, %arg6: memref<1024xf32, #tpu.memory_space<vmem>>, %arg7: memref<1024xf32, #tpu.memory_space<vmem>>, %arg8: memref<16x512xf32, #tpu.memory_space<vmem>>, %arg9: memref<16x512xf32, #tpu.memory_space<vmem>>, %arg10: memref<16x512xf32, #tpu.memory_space<vmem>>, %arg11: memref<16x512xf32, #tpu.memory_space<vmem>>, %arg12: memref<16x512xf32, #tpu.memory_space<vmem>>, %arg13: memref<16x512xf32, #tpu.memory_space<vmem>>, %arg14: memref<16x512xf32, #tpu.memory_space<vmem>>, %arg15: memref<16x512xf32, #tpu.memory_space<vmem>>, %arg16: memref<!tpu.dma_semaphore, #tpu.memory_space<semaphore_mem>>, %arg17: memref<!tpu.dma_semaphore, #tpu.memory_space<semaphore_mem>>, %arg18: memref<!tpu.dma_semaphore, #tpu.memory_space<semaphore_mem>>, %arg19: memref<!tpu.dma_semaphore, #tpu.memory_space<semaphore_mem>>, %arg20: memref<!tpu.dma_semaphore, #tpu.memory_space<semaphore_mem>>) attributes {dimension_semantics = [#tpu.dimension_semantics<core_parallel>, #tpu.dimension_semantics<subcore_parallel>], iteration_bounds = array<i64: 2, 16>, scalar_prefetch = 0 : i64, scratch_operands = 16 : i64, tpu.core_type = #tpu.core_type<sc_vector_subcore>, window_params = [{transform_indices = #map}, {transform_indices = #map1}, {transform_indices = #map2}]} {
    %mul3A = arith.constant 16 : i32
    %mul3A_0 = arith.muli %arg0, %mul3A : i32
    %add3A = arith.addi %mul3A_0, %arg1 : i32
    %dma_start3A = arith.constant 0 : i32
    %dma_start3A_1 = tpu.memref_slice %arg3[%dma_start3A] : memref<3072xf32, #tpu.memory_space<hbm>> -> memref<1024xf32, #tpu.memory_space<hbm>>
    %dma_start3A_2 = arith.constant 0 : i32
    %dma_start3A_3 = tpu.memref_slice %arg3[%dma_start3A_2] : memref<3072xf32, #tpu.memory_space<hbm>> -> memref<1024xf32, #tpu.memory_space<hbm>>
    tpu.enqueue_dma source(%dma_start3A_3 : memref<1024xf32, #tpu.memory_space<hbm>>) target(%arg5 : memref<1024xf32, #tpu.memory_space<vmem>>) target_semaphore(%arg16 : memref<!tpu.dma_semaphore, #tpu.memory_space<semaphore_mem>>)
    %dma_start3A_4 = arith.constant 1024 : i32
    %dma_start3A_5 = tpu.memref_slice %arg3[%dma_start3A_4] : memref<3072xf32, #tpu.memory_space<hbm>> -> memref<1024xf32, #tpu.memory_space<hbm>>
    %dma_start3A_6 = arith.constant 1024 : i32
    %dma_start3A_7 = tpu.memref_slice %arg3[%dma_start3A_6] : memref<3072xf32, #tpu.memory_space<hbm>> -> memref<1024xf32, #tpu.memory_space<hbm>>
    tpu.enqueue_dma source(%dma_start3A_7 : memref<1024xf32, #tpu.memory_space<hbm>>) target(%arg6 : memref<1024xf32, #tpu.memory_space<vmem>>) target_semaphore(%arg16 : memref<!tpu.dma_semaphore, #tpu.memory_space<semaphore_mem>>)
    %dma_start3A_8 = arith.constant 2048 : i32
    %dma_start3A_9 = tpu.memref_slice %arg3[%dma_start3A_8] : memref<3072xf32, #tpu.memory_space<hbm>> -> memref<1024xf32, #tpu.memory_space<hbm>>
    %dma_start3A_10 = arith.constant 2048 : i32
    %dma_start3A_11 = tpu.memref_slice %arg3[%dma_start3A_10] : memref<3072xf32, #tpu.memory_space<hbm>> -> memref<1024xf32, #tpu.memory_space<hbm>>
    tpu.enqueue_dma source(%dma_start3A_11 : memref<1024xf32, #tpu.memory_space<hbm>>) target(%arg7 : memref<1024xf32, #tpu.memory_space<vmem>>) target_semaphore(%arg16 : memref<!tpu.dma_semaphore, #tpu.memory_space<semaphore_mem>>)
    %mul3A_12 = arith.constant 131072 : i32
    %mul3A_13 = arith.muli %add3A, %mul3A_12 : i32
    %mul3A_14 = arith.constant 131072 : i32
    %mul3A_15 = arith.muli %add3A, %mul3A_14 : i32
    %jit3A = arith.constant 262144 : i32
    %div3A = arith.divsi %mul3A_15, %jit3A : i32
    %sign3A = arith.constant 0 : i32
    %sign3A_16 = arith.cmpi sgt, %mul3A_15, %sign3A : i32
    %sign3A_17 = arith.extui %sign3A_16 : i1 to i32
    %sign3A_18 = arith.constant 0 : i32
    %sign3A_19 = arith.cmpi slt, %mul3A_15, %sign3A_18 : i32
    %sign3A_20 = arith.extui %sign3A_19 : i1 to i32
    %sign3A_21 = arith.subi %sign3A_17, %sign3A_20 : i32
    %sign3A_22 = arith.constant 0 : i32
    %sign3A_23 = arith.cmpi sgt, %jit3A, %sign3A_22 : i32
    %sign3A_24 = arith.extui %sign3A_23 : i1 to i32
    %sign3A_25 = arith.constant 0 : i32
    %sign3A_26 = arith.cmpi slt, %jit3A, %sign3A_25 : i32
    %sign3A_27 = arith.extui %sign3A_26 : i1 to i32
    %sign3A_28 = arith.subi %sign3A_24, %sign3A_27 : i32
    %ne3A = arith.cmpi ne, %sign3A_21, %sign3A_28 : i32
    %rem3A = arith.remsi %mul3A_15, %jit3A : i32
    %ne3A_29 = arith.constant 0 : i32
    %ne3A_30 = arith.cmpi ne, %rem3A, %ne3A_29 : i32
    %and3A = arith.andi %ne3A, %ne3A_30 : i1
    %sub3A = arith.constant 1 : i32
    %sub3A_31 = arith.subi %div3A, %sub3A : i32
    %select_n3A = arith.select %and3A, %sub3A_31, %div3A : i32
    %mul3A_32 = arith.constant 262144 : i32
    %mul3A_33 = arith.muli %select_n3A, %mul3A_32 : i32
    %sub3A_34 = arith.subi %mul3A_13, %mul3A_33 : i32
    %jit3A_35 = arith.constant 512 : i32
    %div3A_36 = arith.divsi %sub3A_34, %jit3A_35 : i32
    %sign3A_37 = arith.constant 0 : i32
    %sign3A_38 = arith.cmpi sgt, %sub3A_34, %sign3A_37 : i32
    %sign3A_39 = arith.extui %sign3A_38 : i1 to i32
    %sign3A_40 = arith.constant 0 : i32
    %sign3A_41 = arith.cmpi slt, %sub3A_34, %sign3A_40 : i32
    %sign3A_42 = arith.extui %sign3A_41 : i1 to i32
    %sign3A_43 = arith.subi %sign3A_39, %sign3A_42 : i32
    %sign3A_44 = arith.constant 0 : i32
    %sign3A_45 = arith.cmpi sgt, %jit3A_35, %sign3A_44 : i32
    %sign3A_46 = arith.extui %sign3A_45 : i1 to i32
    %sign3A_47 = arith.constant 0 : i32
    %sign3A_48 = arith.cmpi slt, %jit3A_35, %sign3A_47 : i32
    %sign3A_49 = arith.extui %sign3A_48 : i1 to i32
    %sign3A_50 = arith.subi %sign3A_46, %sign3A_49 : i32
    %ne3A_51 = arith.cmpi ne, %sign3A_43, %sign3A_50 : i32
    %rem3A_52 = arith.remsi %sub3A_34, %jit3A_35 : i32
    %ne3A_53 = arith.constant 0 : i32
    %ne3A_54 = arith.cmpi ne, %rem3A_52, %ne3A_53 : i32
    %and3A_55 = arith.andi %ne3A_51, %ne3A_54 : i1
    %sub3A_56 = arith.constant 1 : i32
    %sub3A_57 = arith.subi %div3A_36, %sub3A_56 : i32
    %select_n3A_58 = arith.select %and3A_55, %sub3A_57, %div3A_36 : i32
    %mul3A_59 = arith.constant 512 : i32
    %mul3A_60 = arith.muli %select_n3A, %mul3A_59 : i32
    %add3A_61 = arith.addi %mul3A_60, %select_n3A_58 : i32
    %multiple_of3A = tpu.assume_multiple %add3A_61, 16 : i32
    %mul3A_62 = arith.constant 3 : i32
    %mul3A_63 = arith.muli %select_n3A, %mul3A_62 : i32
    %mul3A_64 = arith.constant 512 : i32
    %mul3A_65 = arith.muli %mul3A_63, %mul3A_64 : i32
    %add3A_66 = arith.addi %mul3A_65, %select_n3A_58 : i32
    %multiple_of3A_67 = tpu.assume_multiple %add3A_66, 16 : i32
    %add3A_68 = arith.constant 0 : i32
    %add3A_69 = arith.addi %multiple_of3A, %add3A_68 : i32
    %multiple_of3A_70 = tpu.assume_multiple %add3A_69, 16 : i32
    %dma_start3A_71 = tpu.memref_reshape %arg2 : memref<16x512x512xf32, #tpu.memory_space<hbm>> -> memref<8192x512xf32, #tpu.memory_space<hbm>>
    %dma_start3A_72 = arith.constant 0 : i32
    %dma_start3A_73 = tpu.memref_slice %dma_start3A_71[%multiple_of3A_70, %dma_start3A_72] : memref<8192x512xf32, #tpu.memory_space<hbm>> -> memref<16x512xf32, #tpu.memory_space<hbm>>
    %dma_start3A_74 = tpu.memref_reshape %arg2 : memref<16x512x512xf32, #tpu.memory_space<hbm>> -> memref<8192x512xf32, #tpu.memory_space<hbm>>
    %dma_start3A_75 = arith.constant 0 : i32
    %dma_start3A_76 = tpu.memref_slice %dma_start3A_74[%multiple_of3A_70, %dma_start3A_75] : memref<8192x512xf32, #tpu.memory_space<hbm>> -> memref<16x512xf32, #tpu.memory_space<hbm>>
    tpu.enqueue_dma source(%dma_start3A_76 : memref<16x512xf32, #tpu.memory_space<hbm>>) target(%arg8 : memref<16x512xf32, #tpu.memory_space<vmem>>) target_semaphore(%arg17 : memref<!tpu.dma_semaphore, #tpu.memory_space<semaphore_mem>>)
    %add3A_77 = arith.constant 16 : i32
    %add3A_78 = arith.addi %multiple_of3A, %add3A_77 : i32
    %multiple_of3A_79 = tpu.assume_multiple %add3A_78, 16 : i32
    %dma_start3A_80 = tpu.memref_reshape %arg2 : memref<16x512x512xf32, #tpu.memory_space<hbm>> -> memref<8192x512xf32, #tpu.memory_space<hbm>>
    %dma_start3A_81 = arith.constant 0 : i32
    %dma_start3A_82 = tpu.memref_slice %dma_start3A_80[%multiple_of3A_79, %dma_start3A_81] : memref<8192x512xf32, #tpu.memory_space<hbm>> -> memref<16x512xf32, #tpu.memory_space<hbm>>
    %dma_start3A_83 = tpu.memref_reshape %arg2 : memref<16x512x512xf32, #tpu.memory_space<hbm>> -> memref<8192x512xf32, #tpu.memory_space<hbm>>
    %dma_start3A_84 = arith.constant 0 : i32
    %dma_start3A_85 = tpu.memref_slice %dma_start3A_83[%multiple_of3A_79, %dma_start3A_84] : memref<8192x512xf32, #tpu.memory_space<hbm>> -> memref<16x512xf32, #tpu.memory_space<hbm>>
    tpu.enqueue_dma source(%dma_start3A_85 : memref<16x512xf32, #tpu.memory_space<hbm>>) target(%arg9 : memref<16x512xf32, #tpu.memory_space<vmem>>) target_semaphore(%arg18 : memref<!tpu.dma_semaphore, #tpu.memory_space<semaphore_mem>>)
    %dma_wait3A = arith.constant 0 : i32
    %dma_wait3A_86 = tpu.memref_slice %arg3[%dma_wait3A] : memref<3072xf32, #tpu.memory_space<hbm>> -> memref<1024xf32, #tpu.memory_space<hbm>>
    %dma_wait3A_87 = arith.constant 0 : i32
    %dma_wait3A_88 = tpu.memref_slice %arg3[%dma_wait3A_87] : memref<3072xf32, #tpu.memory_space<hbm>> -> memref<1024xf32, #tpu.memory_space<hbm>>
    tpu.wait_dma2 semaphore(%arg16 : memref<!tpu.dma_semaphore, #tpu.memory_space<semaphore_mem>>) src(%dma_wait3A_88 : memref<1024xf32, #tpu.memory_space<hbm>>) dst(%arg5 : memref<1024xf32, #tpu.memory_space<vmem>>)
    %dma_wait3A_89 = arith.constant 1024 : i32
    %dma_wait3A_90 = tpu.memref_slice %arg3[%dma_wait3A_89] : memref<3072xf32, #tpu.memory_space<hbm>> -> memref<1024xf32, #tpu.memory_space<hbm>>
    %dma_wait3A_91 = arith.constant 1024 : i32
    %dma_wait3A_92 = tpu.memref_slice %arg3[%dma_wait3A_91] : memref<3072xf32, #tpu.memory_space<hbm>> -> memref<1024xf32, #tpu.memory_space<hbm>>
    tpu.wait_dma2 semaphore(%arg16 : memref<!tpu.dma_semaphore, #tpu.memory_space<semaphore_mem>>) src(%dma_wait3A_92 : memref<1024xf32, #tpu.memory_space<hbm>>) dst(%arg6 : memref<1024xf32, #tpu.memory_space<vmem>>)
    %dma_wait3A_93 = arith.constant 2048 : i32
    %dma_wait3A_94 = tpu.memref_slice %arg3[%dma_wait3A_93] : memref<3072xf32, #tpu.memory_space<hbm>> -> memref<1024xf32, #tpu.memory_space<hbm>>
    %dma_wait3A_95 = arith.constant 2048 : i32
    %dma_wait3A_96 = tpu.memref_slice %arg3[%dma_wait3A_95] : memref<3072xf32, #tpu.memory_space<hbm>> -> memref<1024xf32, #tpu.memory_space<hbm>>
    tpu.wait_dma2 semaphore(%arg16 : memref<!tpu.dma_semaphore, #tpu.memory_space<semaphore_mem>>) src(%dma_wait3A_96 : memref<1024xf32, #tpu.memory_space<hbm>>) dst(%arg7 : memref<1024xf32, #tpu.memory_space<vmem>>)
    %scan3A = arith.constant 0 : i32
    %scan3A_97 = arith.constant 0 : i32
    %scan3A_98 = arith.constant 8 : i32
    %scan3A_99 = arith.addi %scan3A_97, %scan3A_98 : i32
    %scan3A_100 = arith.constant 1 : i32
    scf.for %scan3A_150 = %scan3A_97 to %scan3A_99 step %scan3A_100  : i32 {
      %mul3A_151 = arith.constant 2 : i32
      %mul3A_152 = arith.muli %mul3A_151, %scan3A_150 : i32
      %add3A_153 = arith.constant 0 : i32
      %add3A_154 = arith.addi %mul3A_152, %add3A_153 : i32
      %dma_wait3A_155 = tpu.memref_reshape %arg2 : memref<16x512x512xf32, #tpu.memory_space<hbm>> -> memref<8192x512xf32, #tpu.memory_space<hbm>>
      %dma_wait3A_156 = arith.constant 0 : i32
      %dma_wait3A_157 = arith.constant 0 : i32
      %dma_wait3A_158 = tpu.memref_slice %dma_wait3A_155[%dma_wait3A_156, %dma_wait3A_157] : memref<8192x512xf32, #tpu.memory_space<hbm>> -> memref<16x512xf32, #tpu.memory_space<hbm>>
      %dma_wait3A_159 = tpu.memref_reshape %arg2 : memref<16x512x512xf32, #tpu.memory_space<hbm>> -> memref<8192x512xf32, #tpu.memory_space<hbm>>
      %dma_wait3A_160 = arith.constant 0 : i32
      %dma_wait3A_161 = arith.constant 0 : i32
      %dma_wait3A_162 = tpu.memref_slice %dma_wait3A_159[%dma_wait3A_160, %dma_wait3A_161] : memref<8192x512xf32, #tpu.memory_space<hbm>> -> memref<16x512xf32, #tpu.memory_space<hbm>>
      tpu.wait_dma2 semaphore(%arg17 : memref<!tpu.dma_semaphore, #tpu.memory_space<semaphore_mem>>) src(%dma_wait3A_162 : memref<16x512xf32, #tpu.memory_space<hbm>>) dst(%arg8 : memref<16x512xf32, #tpu.memory_space<vmem>>)
      %gt3A = arith.constant 0 : i32
      %gt3A_163 = arith.cmpi sgt, %scan3A_150, %gt3A : i32
      %convert_element_type3A = arith.extui %gt3A_163 : i1 to i32
      %cond3A = arith.constant 0 : i32
      %cond3A_164 = arith.cmpi ne, %convert_element_type3A, %cond3A : i32
      scf.if %cond3A_164 {
        %dma_wait3A_263 = tpu.memref_reshape %arg4 : memref<16x3x512x512xf32, #tpu.memory_space<hbm>> -> memref<24576x512xf32, #tpu.memory_space<hbm>>
        %dma_wait3A_264 = arith.constant 0 : i32
        %dma_wait3A_265 = arith.constant 0 : i32
        %dma_wait3A_266 = tpu.memref_slice %dma_wait3A_263[%dma_wait3A_264, %dma_wait3A_265] : memref<24576x512xf32, #tpu.memory_space<hbm>> -> memref<16x512xf32, #tpu.memory_space<hbm>>
        %dma_wait3A_267 = tpu.memref_reshape %arg4 : memref<16x3x512x512xf32, #tpu.memory_space<hbm>> -> memref<24576x512xf32, #tpu.memory_space<hbm>>
        %dma_wait3A_268 = arith.constant 0 : i32
        %dma_wait3A_269 = arith.constant 0 : i32
        %dma_wait3A_270 = tpu.memref_slice %dma_wait3A_267[%dma_wait3A_268, %dma_wait3A_269] : memref<24576x512xf32, #tpu.memory_space<hbm>> -> memref<16x512xf32, #tpu.memory_space<hbm>>
        tpu.wait_dma2 semaphore(%arg19 : memref<!tpu.dma_semaphore, #tpu.memory_space<semaphore_mem>>) src(%arg10 : memref<16x512xf32, #tpu.memory_space<vmem>>) dst(%dma_wait3A_270 : memref<16x512xf32, #tpu.memory_space<hbm>>)
        %dma_wait3A_271 = tpu.memref_reshape %arg4 : memref<16x3x512x512xf32, #tpu.memory_space<hbm>> -> memref<24576x512xf32, #tpu.memory_space<hbm>>
        %dma_wait3A_272 = arith.constant 0 : i32
        %dma_wait3A_273 = arith.constant 0 : i32
        %dma_wait3A_274 = tpu.memref_slice %dma_wait3A_271[%dma_wait3A_272, %dma_wait3A_273] : memref<24576x512xf32, #tpu.memory_space<hbm>> -> memref<16x512xf32, #tpu.memory_space<hbm>>
        %dma_wait3A_275 = tpu.memref_reshape %arg4 : memref<16x3x512x512xf32, #tpu.memory_space<hbm>> -> memref<24576x512xf32, #tpu.memory_space<hbm>>
        %dma_wait3A_276 = arith.constant 0 : i32
        %dma_wait3A_277 = arith.constant 0 : i32
        %dma_wait3A_278 = tpu.memref_slice %dma_wait3A_275[%dma_wait3A_276, %dma_wait3A_277] : memref<24576x512xf32, #tpu.memory_space<hbm>> -> memref<16x512xf32, #tpu.memory_space<hbm>>
        tpu.wait_dma2 semaphore(%arg19 : memref<!tpu.dma_semaphore, #tpu.memory_space<semaphore_mem>>) src(%arg12 : memref<16x512xf32, #tpu.memory_space<vmem>>) dst(%dma_wait3A_278 : memref<16x512xf32, #tpu.memory_space<hbm>>)
        %dma_wait3A_279 = tpu.memref_reshape %arg4 : memref<16x3x512x512xf32, #tpu.memory_space<hbm>> -> memref<24576x512xf32, #tpu.memory_space<hbm>>
        %dma_wait3A_280 = arith.constant 0 : i32
        %dma_wait3A_281 = arith.constant 0 : i32
        %dma_wait3A_282 = tpu.memref_slice %dma_wait3A_279[%dma_wait3A_280, %dma_wait3A_281] : memref<24576x512xf32, #tpu.memory_space<hbm>> -> memref<16x512xf32, #tpu.memory_space<hbm>>
        %dma_wait3A_283 = tpu.memref_reshape %arg4 : memref<16x3x512x512xf32, #tpu.memory_space<hbm>> -> memref<24576x512xf32, #tpu.memory_space<hbm>>
        %dma_wait3A_284 = arith.constant 0 : i32
        %dma_wait3A_285 = arith.constant 0 : i32
        %dma_wait3A_286 = tpu.memref_slice %dma_wait3A_283[%dma_wait3A_284, %dma_wait3A_285] : memref<24576x512xf32, #tpu.memory_space<hbm>> -> memref<16x512xf32, #tpu.memory_space<hbm>>
        tpu.wait_dma2 semaphore(%arg19 : memref<!tpu.dma_semaphore, #tpu.memory_space<semaphore_mem>>) src(%arg14 : memref<16x512xf32, #tpu.memory_space<vmem>>) dst(%dma_wait3A_286 : memref<16x512xf32, #tpu.memory_space<hbm>>)
      } else {
      }
      %scan3A_165 = arith.constant 0 : i32
      %scan3A_166 = arith.constant 0 : i32
      %scan3A_167 = arith.constant 16 : i32
      %scan3A_168 = arith.addi %scan3A_166, %scan3A_167 : i32
      %scan3A_169 = arith.constant 1 : i32
      scf.for %scan3A_263 = %scan3A_166 to %scan3A_168 step %scan3A_169  : i32 {
        %parallel_loop3A = arith.constant 0 : i32
        %parallel_loop3A_264 = arith.constant 512 : i32
        %parallel_loop3A_265 = arith.constant 16 : i32
        scf.for %parallel_loop3A_266 = %parallel_loop3A to %parallel_loop3A_264 step %parallel_loop3A_265  : i32 {
          %parallel_loop3A_267 = arith.index_cast %scan3A_263 : i32 to index
          %parallel_loop3A_268 = arith.index_cast %parallel_loop3A_266 : i32 to index
          %parallel_loop3A_269 = tpu.vector_load %arg8[%parallel_loop3A_267, %parallel_loop3A_268] {strides = array<i32>} : memref<16x512xf32, #tpu.memory_space<vmem>>, vector<16xf32>,
          %parallel_loop3A_270 = arith.constant 1.024000e+03 : f32
          %parallel_loop3A_271 = vector.broadcast %parallel_loop3A_270 : f32 to vector<16xf32>
          %parallel_loop3A_272 = arith.mulf %parallel_loop3A_269, %parallel_loop3A_271 : vector<16xf32>
          %parallel_loop3A_273 = arith.constant 0x4B000000 : f32
          %parallel_loop3A_274 = vector.broadcast %parallel_loop3A_273 : f32 to vector<16xf32>
          %parallel_loop3A_275 = arith.addf %parallel_loop3A_272, %parallel_loop3A_274 : vector<16xf32>
          %parallel_loop3A_276 = arith.constant 0x4B000000 : f32
          %parallel_loop3A_277 = vector.broadcast %parallel_loop3A_276 : f32 to vector<16xf32>
          %parallel_loop3A_278 = arith.subf %parallel_loop3A_275, %parallel_loop3A_277 : vector<16xf32>
          %parallel_loop3A_279 = arith.constant 0.000000e+00 : f32
          %parallel_loop3A_280 = vector.broadcast %parallel_loop3A_279 : f32 to vector<16xf32>
          %parallel_loop3A_281 = arith.maximumf %parallel_loop3A_278, %parallel_loop3A_280 : vector<16xf32>
          %parallel_loop3A_282 = arith.constant 1.023000e+03 : f32
          %parallel_loop3A_283 = vector.broadcast %parallel_loop3A_282 : f32 to vector<16xf32>
          %parallel_loop3A_284 = arith.minimumf %parallel_loop3A_281, %parallel_loop3A_283 : vector<16xf32>
          %parallel_loop3A_285 = arith.fptosi %parallel_loop3A_284 : vector<16xf32> to vector<16xi32>
          %parallel_loop3A_286 = tpu.vector_load_idx %arg5[%parallel_loop3A_285] : memref<1024xf32, #tpu.memory_space<vmem>>[vector<16xi32>], vector<16xf32>,
          %parallel_loop3A_287 = arith.index_cast %scan3A_263 : i32 to index
          %parallel_loop3A_288 = arith.index_cast %parallel_loop3A_266 : i32 to index
          %parallel_loop3A_289 = tpu.vector_load %arg10[%parallel_loop3A_287, %parallel_loop3A_288] {strides = array<i32>} : memref<16x512xf32, #tpu.memory_space<vmem>>, vector<16xf32>,
          tpu.vector_store %arg10[%parallel_loop3A_287, %parallel_loop3A_288], %parallel_loop3A_286 {strides = array<i32>} : memref<16x512xf32, #tpu.memory_space<vmem>>, vector<16xf32>,
          %parallel_loop3A_290 = tpu.vector_load_idx %arg6[%parallel_loop3A_285] : memref<1024xf32, #tpu.memory_space<vmem>>[vector<16xi32>], vector<16xf32>,
          %parallel_loop3A_291 = arith.index_cast %scan3A_263 : i32 to index
          %parallel_loop3A_292 = arith.index_cast %parallel_loop3A_266 : i32 to index
          %parallel_loop3A_293 = tpu.vector_load %arg12[%parallel_loop3A_291, %parallel_loop3A_292] {strides = array<i32>} : memref<16x512xf32, #tpu.memory_space<vmem>>, vector<16xf32>,
          tpu.vector_store %arg12[%parallel_loop3A_291, %parallel_loop3A_292], %parallel_loop3A_290 {strides = array<i32>} : memref<16x512xf32, #tpu.memory_space<vmem>>, vector<16xf32>,
          %parallel_loop3A_294 = tpu.vector_load_idx %arg7[%parallel_loop3A_285] : memref<1024xf32, #tpu.memory_space<vmem>>[vector<16xi32>], vector<16xf32>,
          %parallel_loop3A_295 = arith.index_cast %scan3A_263 : i32 to index
          %parallel_loop3A_296 = arith.index_cast %parallel_loop3A_266 : i32 to index
          %parallel_loop3A_297 = tpu.vector_load %arg14[%parallel_loop3A_295, %parallel_loop3A_296] {strides = array<i32>} : memref<16x512xf32, #tpu.memory_space<vmem>>, vector<16xf32>,
          tpu.vector_store %arg14[%parallel_loop3A_295, %parallel_loop3A_296], %parallel_loop3A_294 {strides = array<i32>} : memref<16x512xf32, #tpu.memory_space<vmem>>, vector<16xf32>,
        } {sc.loop_unroll_factor = 4 : i64, sc.parallel_access}
      }
      %scan3A_170 = arith.constant 16 : i32
      %mul3A_171 = arith.constant 16 : i32
      %mul3A_172 = arith.muli %add3A_154, %mul3A_171 : i32
      %add3A_173 = arith.addi %multiple_of3A_67, %mul3A_172 : i32
      %multiple_of3A_174 = tpu.assume_multiple %add3A_173, 16 : i32
      %add3A_175 = arith.constant 0 : i32
      %add3A_176 = arith.addi %multiple_of3A_174, %add3A_175 : i32
      %dma_start3A_177 = tpu.memref_reshape %arg4 : memref<16x3x512x512xf32, #tpu.memory_space<hbm>> -> memref<24576x512xf32, #tpu.memory_space<hbm>>
      %dma_start3A_178 = arith.constant 0 : i32
      %dma_start3A_179 = tpu.memref_slice %dma_start3A_177[%add3A_176, %dma_start3A_178] : memref<24576x512xf32, #tpu.memory_space<hbm>> -> memref<16x512xf32, #tpu.memory_space<hbm>>
      %dma_start3A_180 = tpu.memref_reshape %arg4 : memref<16x3x512x512xf32, #tpu.memory_space<hbm>> -> memref<24576x512xf32, #tpu.memory_space<hbm>>
      %dma_start3A_181 = arith.constant 0 : i32
      %dma_start3A_182 = tpu.memref_slice %dma_start3A_180[%add3A_176, %dma_start3A_181] : memref<24576x512xf32, #tpu.memory_space<hbm>> -> memref<16x512xf32, #tpu.memory_space<hbm>>
      tpu.enqueue_dma source(%arg10 : memref<16x512xf32, #tpu.memory_space<vmem>>) target(%dma_start3A_182 : memref<16x512xf32, #tpu.memory_space<hbm>>) target_semaphore(%arg19 : memref<!tpu.dma_semaphore, #tpu.memory_space<semaphore_mem>>)
      %add3A_183 = arith.constant 512 : i32
      %add3A_184 = arith.addi %multiple_of3A_174, %add3A_183 : i32
      %dma_start3A_185 = tpu.memref_reshape %arg4 : memref<16x3x512x512xf32, #tpu.memory_space<hbm>> -> memref<24576x512xf32, #tpu.memory_space<hbm>>
      %dma_start3A_186 = arith.constant 0 : i32
      %dma_start3A_187 = tpu.memref_slice %dma_start3A_185[%add3A_184, %dma_start3A_186] : memref<24576x512xf32, #tpu.memory_space<hbm>> -> memref<16x512xf32, #tpu.memory_space<hbm>>
      %dma_start3A_188 = tpu.memref_reshape %arg4 : memref<16x3x512x512xf32, #tpu.memory_space<hbm>> -> memref<24576x512xf32, #tpu.memory_space<hbm>>
      %dma_start3A_189 = arith.constant 0 : i32
      %dma_start3A_190 = tpu.memref_slice %dma_start3A_188[%add3A_184, %dma_start3A_189] : memref<24576x512xf32, #tpu.memory_space<hbm>> -> memref<16x512xf32, #tpu.memory_space<hbm>>
      tpu.enqueue_dma source(%arg12 : memref<16x512xf32, #tpu.memory_space<vmem>>) target(%dma_start3A_190 : memref<16x512xf32, #tpu.memory_space<hbm>>) target_semaphore(%arg19 : memref<!tpu.dma_semaphore, #tpu.memory_space<semaphore_mem>>)
      %add3A_191 = arith.constant 1024 : i32
      %add3A_192 = arith.addi %multiple_of3A_174, %add3A_191 : i32
      %dma_start3A_193 = tpu.memref_reshape %arg4 : memref<16x3x512x512xf32, #tpu.memory_space<hbm>> -> memref<24576x512xf32, #tpu.memory_space<hbm>>
      %dma_start3A_194 = arith.constant 0 : i32
      %dma_start3A_195 = tpu.memref_slice %dma_start3A_193[%add3A_192, %dma_start3A_194] : memref<24576x512xf32, #tpu.memory_space<hbm>> -> memref<16x512xf32, #tpu.memory_space<hbm>>
      %dma_start3A_196 = tpu.memref_reshape %arg4 : memref<16x3x512x512xf32, #tpu.memory_space<hbm>> -> memref<24576x512xf32, #tpu.memory_space<hbm>>
      %dma_start3A_197 = arith.constant 0 : i32
      %dma_start3A_198 = tpu.memref_slice %dma_start3A_196[%add3A_192, %dma_start3A_197] : memref<24576x512xf32, #tpu.memory_space<hbm>> -> memref<16x512xf32, #tpu.memory_space<hbm>>
      tpu.enqueue_dma source(%arg14 : memref<16x512xf32, #tpu.memory_space<vmem>>) target(%dma_start3A_198 : memref<16x512xf32, #tpu.memory_space<hbm>>) target_semaphore(%arg19 : memref<!tpu.dma_semaphore, #tpu.memory_space<semaphore_mem>>)
      %add3A_199 = arith.constant 2 : i32
      %add3A_200 = arith.addi %add3A_154, %add3A_199 : i32
      %lt3A = arith.constant 16 : i32
      %lt3A_201 = arith.cmpi slt, %add3A_200, %lt3A : i32
      %convert_element_type3A_202 = arith.extui %lt3A_201 : i1 to i32
      %cond3A_203 = arith.constant 0 : i32
      %cond3A_204 = arith.cmpi ne, %convert_element_type3A_202, %cond3A_203 : i32
      scf.if %cond3A_204 {
        %add3A_263 = arith.constant 2 : i32
        %add3A_264 = arith.addi %add3A_154, %add3A_263 : i32
        %mul3A_265 = arith.constant 16 : i32
        %mul3A_266 = arith.muli %add3A_264, %mul3A_265 : i32
        %add3A_267 = arith.addi %multiple_of3A, %mul3A_266 : i32
        %multiple_of3A_268 = tpu.assume_multiple %add3A_267, 16 : i32
        %dma_start3A_269 = tpu.memref_reshape %arg2 : memref<16x512x512xf32, #tpu.memory_space<hbm>> -> memref<8192x512xf32, #tpu.memory_space<hbm>>
        %dma_start3A_270 = arith.constant 0 : i32
        %dma_start3A_271 = tpu.memref_slice %dma_start3A_269[%multiple_of3A_268, %dma_start3A_270] : memref<8192x512xf32, #tpu.memory_space<hbm>> -> memref<16x512xf32, #tpu.memory_space<hbm>>
        %dma_start3A_272 = tpu.memref_reshape %arg2 : memref<16x512x512xf32, #tpu.memory_space<hbm>> -> memref<8192x512xf32, #tpu.memory_space<hbm>>
        %dma_start3A_273 = arith.constant 0 : i32
        %dma_start3A_274 = tpu.memref_slice %dma_start3A_272[%multiple_of3A_268, %dma_start3A_273] : memref<8192x512xf32, #tpu.memory_space<hbm>> -> memref<16x512xf32, #tpu.memory_space<hbm>>
        tpu.enqueue_dma source(%dma_start3A_274 : memref<16x512xf32, #tpu.memory_space<hbm>>) target(%arg8 : memref<16x512xf32, #tpu.memory_space<vmem>>) target_semaphore(%arg17 : memref<!tpu.dma_semaphore, #tpu.memory_space<semaphore_mem>>)
      } else {
      }
      %mul3A_205 = arith.constant 2 : i32
      %mul3A_206 = arith.muli %mul3A_205, %scan3A_150 : i32
      %add3A_207 = arith.constant 1 : i32
      %add3A_208 = arith.addi %mul3A_206, %add3A_207 : i32
      %dma_wait3A_209 = tpu.memref_reshape %arg2 : memref<16x512x512xf32, #tpu.memory_space<hbm>> -> memref<8192x512xf32, #tpu.memory_space<hbm>>
      %dma_wait3A_210 = arith.constant 0 : i32
      %dma_wait3A_211 = arith.constant 0 : i32
      %dma_wait3A_212 = tpu.memref_slice %dma_wait3A_209[%dma_wait3A_210, %dma_wait3A_211] : memref<8192x512xf32, #tpu.memory_space<hbm>> -> memref<16x512xf32, #tpu.memory_space<hbm>>
      %dma_wait3A_213 = tpu.memref_reshape %arg2 : memref<16x512x512xf32, #tpu.memory_space<hbm>> -> memref<8192x512xf32, #tpu.memory_space<hbm>>
      %dma_wait3A_214 = arith.constant 0 : i32
      %dma_wait3A_215 = arith.constant 0 : i32
      %dma_wait3A_216 = tpu.memref_slice %dma_wait3A_213[%dma_wait3A_214, %dma_wait3A_215] : memref<8192x512xf32, #tpu.memory_space<hbm>> -> memref<16x512xf32, #tpu.memory_space<hbm>>
      tpu.wait_dma2 semaphore(%arg18 : memref<!tpu.dma_semaphore, #tpu.memory_space<semaphore_mem>>) src(%dma_wait3A_216 : memref<16x512xf32, #tpu.memory_space<hbm>>) dst(%arg9 : memref<16x512xf32, #tpu.memory_space<vmem>>)
      %gt3A_217 = arith.constant 0 : i32
      %gt3A_218 = arith.cmpi sgt, %scan3A_150, %gt3A_217 : i32
      %convert_element_type3A_219 = arith.extui %gt3A_218 : i1 to i32
      %cond3A_220 = arith.constant 0 : i32
      %cond3A_221 = arith.cmpi ne, %convert_element_type3A_219, %cond3A_220 : i32
      scf.if %cond3A_221 {
        %dma_wait3A_263 = tpu.memref_reshape %arg4 : memref<16x3x512x512xf32, #tpu.memory_space<hbm>> -> memref<24576x512xf32, #tpu.memory_space<hbm>>
        %dma_wait3A_264 = arith.constant 0 : i32
        %dma_wait3A_265 = arith.constant 0 : i32
        %dma_wait3A_266 = tpu.memref_slice %dma_wait3A_263[%dma_wait3A_264, %dma_wait3A_265] : memref<24576x512xf32, #tpu.memory_space<hbm>> -> memref<16x512xf32, #tpu.memory_space<hbm>>
        %dma_wait3A_267 = tpu.memref_reshape %arg4 : memref<16x3x512x512xf32, #tpu.memory_space<hbm>> -> memref<24576x512xf32, #tpu.memory_space<hbm>>
        %dma_wait3A_268 = arith.constant 0 : i32
        %dma_wait3A_269 = arith.constant 0 : i32
        %dma_wait3A_270 = tpu.memref_slice %dma_wait3A_267[%dma_wait3A_268, %dma_wait3A_269] : memref<24576x512xf32, #tpu.memory_space<hbm>> -> memref<16x512xf32, #tpu.memory_space<hbm>>
        tpu.wait_dma2 semaphore(%arg20 : memref<!tpu.dma_semaphore, #tpu.memory_space<semaphore_mem>>) src(%arg11 : memref<16x512xf32, #tpu.memory_space<vmem>>) dst(%dma_wait3A_270 : memref<16x512xf32, #tpu.memory_space<hbm>>)
        %dma_wait3A_271 = tpu.memref_reshape %arg4 : memref<16x3x512x512xf32, #tpu.memory_space<hbm>> -> memref<24576x512xf32, #tpu.memory_space<hbm>>
        %dma_wait3A_272 = arith.constant 0 : i32
        %dma_wait3A_273 = arith.constant 0 : i32
        %dma_wait3A_274 = tpu.memref_slice %dma_wait3A_271[%dma_wait3A_272, %dma_wait3A_273] : memref<24576x512xf32, #tpu.memory_space<hbm>> -> memref<16x512xf32, #tpu.memory_space<hbm>>
        %dma_wait3A_275 = tpu.memref_reshape %arg4 : memref<16x3x512x512xf32, #tpu.memory_space<hbm>> -> memref<24576x512xf32, #tpu.memory_space<hbm>>
        %dma_wait3A_276 = arith.constant 0 : i32
        %dma_wait3A_277 = arith.constant 0 : i32
        %dma_wait3A_278 = tpu.memref_slice %dma_wait3A_275[%dma_wait3A_276, %dma_wait3A_277] : memref<24576x512xf32, #tpu.memory_space<hbm>> -> memref<16x512xf32, #tpu.memory_space<hbm>>
        tpu.wait_dma2 semaphore(%arg20 : memref<!tpu.dma_semaphore, #tpu.memory_space<semaphore_mem>>) src(%arg13 : memref<16x512xf32, #tpu.memory_space<vmem>>) dst(%dma_wait3A_278 : memref<16x512xf32, #tpu.memory_space<hbm>>)
        %dma_wait3A_279 = tpu.memref_reshape %arg4 : memref<16x3x512x512xf32, #tpu.memory_space<hbm>> -> memref<24576x512xf32, #tpu.memory_space<hbm>>
        %dma_wait3A_280 = arith.constant 0 : i32
        %dma_wait3A_281 = arith.constant 0 : i32
        %dma_wait3A_282 = tpu.memref_slice %dma_wait3A_279[%dma_wait3A_280, %dma_wait3A_281] : memref<24576x512xf32, #tpu.memory_space<hbm>> -> memref<16x512xf32, #tpu.memory_space<hbm>>
        %dma_wait3A_283 = tpu.memref_reshape %arg4 : memref<16x3x512x512xf32, #tpu.memory_space<hbm>> -> memref<24576x512xf32, #tpu.memory_space<hbm>>
        %dma_wait3A_284 = arith.constant 0 : i32
        %dma_wait3A_285 = arith.constant 0 : i32
        %dma_wait3A_286 = tpu.memref_slice %dma_wait3A_283[%dma_wait3A_284, %dma_wait3A_285] : memref<24576x512xf32, #tpu.memory_space<hbm>> -> memref<16x512xf32, #tpu.memory_space<hbm>>
        tpu.wait_dma2 semaphore(%arg20 : memref<!tpu.dma_semaphore, #tpu.memory_space<semaphore_mem>>) src(%arg15 : memref<16x512xf32, #tpu.memory_space<vmem>>) dst(%dma_wait3A_286 : memref<16x512xf32, #tpu.memory_space<hbm>>)
      } else {
      }
      %scan3A_222 = arith.constant 0 : i32
      %scan3A_223 = arith.constant 0 : i32
      %scan3A_224 = arith.constant 16 : i32
      %scan3A_225 = arith.addi %scan3A_223, %scan3A_224 : i32
      %scan3A_226 = arith.constant 1 : i32
      scf.for %scan3A_263 = %scan3A_223 to %scan3A_225 step %scan3A_226  : i32 {
        %parallel_loop3A = arith.constant 0 : i32
        %parallel_loop3A_264 = arith.constant 512 : i32
        %parallel_loop3A_265 = arith.constant 16 : i32
        scf.for %parallel_loop3A_266 = %parallel_loop3A to %parallel_loop3A_264 step %parallel_loop3A_265  : i32 {
          %parallel_loop3A_267 = arith.index_cast %scan3A_263 : i32 to index
          %parallel_loop3A_268 = arith.index_cast %parallel_loop3A_266 : i32 to index
          %parallel_loop3A_269 = tpu.vector_load %arg9[%parallel_loop3A_267, %parallel_loop3A_268] {strides = array<i32>} : memref<16x512xf32, #tpu.memory_space<vmem>>, vector<16xf32>,
          %parallel_loop3A_270 = arith.constant 1.024000e+03 : f32
          %parallel_loop3A_271 = vector.broadcast %parallel_loop3A_270 : f32 to vector<16xf32>
          %parallel_loop3A_272 = arith.mulf %parallel_loop3A_269, %parallel_loop3A_271 : vector<16xf32>
          %parallel_loop3A_273 = arith.constant 0x4B000000 : f32
          %parallel_loop3A_274 = vector.broadcast %parallel_loop3A_273 : f32 to vector<16xf32>
          %parallel_loop3A_275 = arith.addf %parallel_loop3A_272, %parallel_loop3A_274 : vector<16xf32>
          %parallel_loop3A_276 = arith.constant 0x4B000000 : f32
          %parallel_loop3A_277 = vector.broadcast %parallel_loop3A_276 : f32 to vector<16xf32>
          %parallel_loop3A_278 = arith.subf %parallel_loop3A_275, %parallel_loop3A_277 : vector<16xf32>
          %parallel_loop3A_279 = arith.constant 0.000000e+00 : f32
          %parallel_loop3A_280 = vector.broadcast %parallel_loop3A_279 : f32 to vector<16xf32>
          %parallel_loop3A_281 = arith.maximumf %parallel_loop3A_278, %parallel_loop3A_280 : vector<16xf32>
          %parallel_loop3A_282 = arith.constant 1.023000e+03 : f32
          %parallel_loop3A_283 = vector.broadcast %parallel_loop3A_282 : f32 to vector<16xf32>
          %parallel_loop3A_284 = arith.minimumf %parallel_loop3A_281, %parallel_loop3A_283 : vector<16xf32>
          %parallel_loop3A_285 = arith.fptosi %parallel_loop3A_284 : vector<16xf32> to vector<16xi32>
          %parallel_loop3A_286 = tpu.vector_load_idx %arg5[%parallel_loop3A_285] : memref<1024xf32, #tpu.memory_space<vmem>>[vector<16xi32>], vector<16xf32>,
          %parallel_loop3A_287 = arith.index_cast %scan3A_263 : i32 to index
          %parallel_loop3A_288 = arith.index_cast %parallel_loop3A_266 : i32 to index
          %parallel_loop3A_289 = tpu.vector_load %arg11[%parallel_loop3A_287, %parallel_loop3A_288] {strides = array<i32>} : memref<16x512xf32, #tpu.memory_space<vmem>>, vector<16xf32>,
          tpu.vector_store %arg11[%parallel_loop3A_287, %parallel_loop3A_288], %parallel_loop3A_286 {strides = array<i32>} : memref<16x512xf32, #tpu.memory_space<vmem>>, vector<16xf32>,
          %parallel_loop3A_290 = tpu.vector_load_idx %arg6[%parallel_loop3A_285] : memref<1024xf32, #tpu.memory_space<vmem>>[vector<16xi32>], vector<16xf32>,
          %parallel_loop3A_291 = arith.index_cast %scan3A_263 : i32 to index
          %parallel_loop3A_292 = arith.index_cast %parallel_loop3A_266 : i32 to index
          %parallel_loop3A_293 = tpu.vector_load %arg13[%parallel_loop3A_291, %parallel_loop3A_292] {strides = array<i32>} : memref<16x512xf32, #tpu.memory_space<vmem>>, vector<16xf32>,
          tpu.vector_store %arg13[%parallel_loop3A_291, %parallel_loop3A_292], %parallel_loop3A_290 {strides = array<i32>} : memref<16x512xf32, #tpu.memory_space<vmem>>, vector<16xf32>,
          %parallel_loop3A_294 = tpu.vector_load_idx %arg7[%parallel_loop3A_285] : memref<1024xf32, #tpu.memory_space<vmem>>[vector<16xi32>], vector<16xf32>,
          %parallel_loop3A_295 = arith.index_cast %scan3A_263 : i32 to index
          %parallel_loop3A_296 = arith.index_cast %parallel_loop3A_266 : i32 to index
          %parallel_loop3A_297 = tpu.vector_load %arg15[%parallel_loop3A_295, %parallel_loop3A_296] {strides = array<i32>} : memref<16x512xf32, #tpu.memory_space<vmem>>, vector<16xf32>,
          tpu.vector_store %arg15[%parallel_loop3A_295, %parallel_loop3A_296], %parallel_loop3A_294 {strides = array<i32>} : memref<16x512xf32, #tpu.memory_space<vmem>>, vector<16xf32>,
        } {sc.loop_unroll_factor = 4 : i64, sc.parallel_access}
      }
      %scan3A_227 = arith.constant 16 : i32
      %mul3A_228 = arith.constant 16 : i32
      %mul3A_229 = arith.muli %add3A_208, %mul3A_228 : i32
      %add3A_230 = arith.addi %multiple_of3A_67, %mul3A_229 : i32
      %multiple_of3A_231 = tpu.assume_multiple %add3A_230, 16 : i32
      %add3A_232 = arith.constant 0 : i32
      %add3A_233 = arith.addi %multiple_of3A_231, %add3A_232 : i32
      %dma_start3A_234 = tpu.memref_reshape %arg4 : memref<16x3x512x512xf32, #tpu.memory_space<hbm>> -> memref<24576x512xf32, #tpu.memory_space<hbm>>
      %dma_start3A_235 = arith.constant 0 : i32
      %dma_start3A_236 = tpu.memref_slice %dma_start3A_234[%add3A_233, %dma_start3A_235] : memref<24576x512xf32, #tpu.memory_space<hbm>> -> memref<16x512xf32, #tpu.memory_space<hbm>>
      %dma_start3A_237 = tpu.memref_reshape %arg4 : memref<16x3x512x512xf32, #tpu.memory_space<hbm>> -> memref<24576x512xf32, #tpu.memory_space<hbm>>
      %dma_start3A_238 = arith.constant 0 : i32
      %dma_start3A_239 = tpu.memref_slice %dma_start3A_237[%add3A_233, %dma_start3A_238] : memref<24576x512xf32, #tpu.memory_space<hbm>> -> memref<16x512xf32, #tpu.memory_space<hbm>>
      tpu.enqueue_dma source(%arg11 : memref<16x512xf32, #tpu.memory_space<vmem>>) target(%dma_start3A_239 : memref<16x512xf32, #tpu.memory_space<hbm>>) target_semaphore(%arg20 : memref<!tpu.dma_semaphore, #tpu.memory_space<semaphore_mem>>)
      %add3A_240 = arith.constant 512 : i32
      %add3A_241 = arith.addi %multiple_of3A_231, %add3A_240 : i32
      %dma_start3A_242 = tpu.memref_reshape %arg4 : memref<16x3x512x512xf32, #tpu.memory_space<hbm>> -> memref<24576x512xf32, #tpu.memory_space<hbm>>
      %dma_start3A_243 = arith.constant 0 : i32
      %dma_start3A_244 = tpu.memref_slice %dma_start3A_242[%add3A_241, %dma_start3A_243] : memref<24576x512xf32, #tpu.memory_space<hbm>> -> memref<16x512xf32, #tpu.memory_space<hbm>>
      %dma_start3A_245 = tpu.memref_reshape %arg4 : memref<16x3x512x512xf32, #tpu.memory_space<hbm>> -> memref<24576x512xf32, #tpu.memory_space<hbm>>
      %dma_start3A_246 = arith.constant 0 : i32
      %dma_start3A_247 = tpu.memref_slice %dma_start3A_245[%add3A_241, %dma_start3A_246] : memref<24576x512xf32, #tpu.memory_space<hbm>> -> memref<16x512xf32, #tpu.memory_space<hbm>>
      tpu.enqueue_dma source(%arg13 : memref<16x512xf32, #tpu.memory_space<vmem>>) target(%dma_start3A_247 : memref<16x512xf32, #tpu.memory_space<hbm>>) target_semaphore(%arg20 : memref<!tpu.dma_semaphore, #tpu.memory_space<semaphore_mem>>)
      %add3A_248 = arith.constant 1024 : i32
      %add3A_249 = arith.addi %multiple_of3A_231, %add3A_248 : i32
      %dma_start3A_250 = tpu.memref_reshape %arg4 : memref<16x3x512x512xf32, #tpu.memory_space<hbm>> -> memref<24576x512xf32, #tpu.memory_space<hbm>>
      %dma_start3A_251 = arith.constant 0 : i32
      %dma_start3A_252 = tpu.memref_slice %dma_start3A_250[%add3A_249, %dma_start3A_251] : memref<24576x512xf32, #tpu.memory_space<hbm>> -> memref<16x512xf32, #tpu.memory_space<hbm>>
      %dma_start3A_253 = tpu.memref_reshape %arg4 : memref<16x3x512x512xf32, #tpu.memory_space<hbm>> -> memref<24576x512xf32, #tpu.memory_space<hbm>>
      %dma_start3A_254 = arith.constant 0 : i32
      %dma_start3A_255 = tpu.memref_slice %dma_start3A_253[%add3A_249, %dma_start3A_254] : memref<24576x512xf32, #tpu.memory_space<hbm>> -> memref<16x512xf32, #tpu.memory_space<hbm>>
      tpu.enqueue_dma source(%arg15 : memref<16x512xf32, #tpu.memory_space<vmem>>) target(%dma_start3A_255 : memref<16x512xf32, #tpu.memory_space<hbm>>) target_semaphore(%arg20 : memref<!tpu.dma_semaphore, #tpu.memory_space<semaphore_mem>>)
      %add3A_256 = arith.constant 2 : i32
      %add3A_257 = arith.addi %add3A_208, %add3A_256 : i32
      %lt3A_258 = arith.constant 16 : i32
      %lt3A_259 = arith.cmpi slt, %add3A_257, %lt3A_258 : i32
      %convert_element_type3A_260 = arith.extui %lt3A_259 : i1 to i32
      %cond3A_261 = arith.constant 0 : i32
      %cond3A_262 = arith.cmpi ne, %convert_element_type3A_260, %cond3A_261 : i32
      scf.if %cond3A_262 {
        %add3A_263 = arith.constant 2 : i32
        %add3A_264 = arith.addi %add3A_208, %add3A_263 : i32
        %mul3A_265 = arith.constant 16 : i32
        %mul3A_266 = arith.muli %add3A_264, %mul3A_265 : i32
        %add3A_267 = arith.addi %multiple_of3A, %mul3A_266 : i32
        %multiple_of3A_268 = tpu.assume_multiple %add3A_267, 16 : i32
        %dma_start3A_269 = tpu.memref_reshape %arg2 : memref<16x512x512xf32, #tpu.memory_space<hbm>> -> memref<8192x512xf32, #tpu.memory_space<hbm>>
        %dma_start3A_270 = arith.constant 0 : i32
        %dma_start3A_271 = tpu.memref_slice %dma_start3A_269[%multiple_of3A_268, %dma_start3A_270] : memref<8192x512xf32, #tpu.memory_space<hbm>> -> memref<16x512xf32, #tpu.memory_space<hbm>>
        %dma_start3A_272 = tpu.memref_reshape %arg2 : memref<16x512x512xf32, #tpu.memory_space<hbm>> -> memref<8192x512xf32, #tpu.memory_space<hbm>>
        %dma_start3A_273 = arith.constant 0 : i32
        %dma_start3A_274 = tpu.memref_slice %dma_start3A_272[%multiple_of3A_268, %dma_start3A_273] : memref<8192x512xf32, #tpu.memory_space<hbm>> -> memref<16x512xf32, #tpu.memory_space<hbm>>
        tpu.enqueue_dma source(%dma_start3A_274 : memref<16x512xf32, #tpu.memory_space<hbm>>) target(%arg9 : memref<16x512xf32, #tpu.memory_space<vmem>>) target_semaphore(%arg18 : memref<!tpu.dma_semaphore, #tpu.memory_space<semaphore_mem>>)
      } else {
      }
    }
    %scan3A_101 = arith.constant 8 : i32
    %dma_wait3A_102 = tpu.memref_reshape %arg4 : memref<16x3x512x512xf32, #tpu.memory_space<hbm>> -> memref<24576x512xf32, #tpu.memory_space<hbm>>
    %dma_wait3A_103 = arith.constant 0 : i32
    %dma_wait3A_104 = arith.constant 0 : i32
    %dma_wait3A_105 = tpu.memref_slice %dma_wait3A_102[%dma_wait3A_103, %dma_wait3A_104] : memref<24576x512xf32, #tpu.memory_space<hbm>> -> memref<16x512xf32, #tpu.memory_space<hbm>>
    %dma_wait3A_106 = tpu.memref_reshape %arg4 : memref<16x3x512x512xf32, #tpu.memory_space<hbm>> -> memref<24576x512xf32, #tpu.memory_space<hbm>>
    %dma_wait3A_107 = arith.constant 0 : i32
    %dma_wait3A_108 = arith.constant 0 : i32
    %dma_wait3A_109 = tpu.memref_slice %dma_wait3A_106[%dma_wait3A_107, %dma_wait3A_108] : memref<24576x512xf32, #tpu.memory_space<hbm>> -> memref<16x512xf32, #tpu.memory_space<hbm>>
    tpu.wait_dma2 semaphore(%arg19 : memref<!tpu.dma_semaphore, #tpu.memory_space<semaphore_mem>>) src(%arg10 : memref<16x512xf32, #tpu.memory_space<vmem>>) dst(%dma_wait3A_109 : memref<16x512xf32, #tpu.memory_space<hbm>>)
    %dma_wait3A_110 = tpu.memref_reshape %arg4 : memref<16x3x512x512xf32, #tpu.memory_space<hbm>> -> memref<24576x512xf32, #tpu.memory_space<hbm>>
    %dma_wait3A_111 = arith.constant 0 : i32
    %dma_wait3A_112 = arith.constant 0 : i32
    %dma_wait3A_113 = tpu.memref_slice %dma_wait3A_110[%dma_wait3A_111, %dma_wait3A_112] : memref<24576x512xf32, #tpu.memory_space<hbm>> -> memref<16x512xf32, #tpu.memory_space<hbm>>
    %dma_wait3A_114 = tpu.memref_reshape %arg4 : memref<16x3x512x512xf32, #tpu.memory_space<hbm>> -> memref<24576x512xf32, #tpu.memory_space<hbm>>
    %dma_wait3A_115 = arith.constant 0 : i32
    %dma_wait3A_116 = arith.constant 0 : i32
    %dma_wait3A_117 = tpu.memref_slice %dma_wait3A_114[%dma_wait3A_115, %dma_wait3A_116] : memref<24576x512xf32, #tpu.memory_space<hbm>> -> memref<16x512xf32, #tpu.memory_space<hbm>>
    tpu.wait_dma2 semaphore(%arg19 : memref<!tpu.dma_semaphore, #tpu.memory_space<semaphore_mem>>) src(%arg12 : memref<16x512xf32, #tpu.memory_space<vmem>>) dst(%dma_wait3A_117 : memref<16x512xf32, #tpu.memory_space<hbm>>)
    %dma_wait3A_118 = tpu.memref_reshape %arg4 : memref<16x3x512x512xf32, #tpu.memory_space<hbm>> -> memref<24576x512xf32, #tpu.memory_space<hbm>>
    %dma_wait3A_119 = arith.constant 0 : i32
    %dma_wait3A_120 = arith.constant 0 : i32
    %dma_wait3A_121 = tpu.memref_slice %dma_wait3A_118[%dma_wait3A_119, %dma_wait3A_120] : memref<24576x512xf32, #tpu.memory_space<hbm>> -> memref<16x512xf32, #tpu.memory_space<hbm>>
    %dma_wait3A_122 = tpu.memref_reshape %arg4 : memref<16x3x512x512xf32, #tpu.memory_space<hbm>> -> memref<24576x512xf32, #tpu.memory_space<hbm>>
    %dma_wait3A_123 = arith.constant 0 : i32
    %dma_wait3A_124 = arith.constant 0 : i32
    %dma_wait3A_125 = tpu.memref_slice %dma_wait3A_122[%dma_wait3A_123, %dma_wait3A_124] : memref<24576x512xf32, #tpu.memory_space<hbm>> -> memref<16x512xf32, #tpu.memory_space<hbm>>
    tpu.wait_dma2 semaphore(%arg19 : memref<!tpu.dma_semaphore, #tpu.memory_space<semaphore_mem>>) src(%arg14 : memref<16x512xf32, #tpu.memory_space<vmem>>) dst(%dma_wait3A_125 : memref<16x512xf32, #tpu.memory_space<hbm>>)
    %dma_wait3A_126 = tpu.memref_reshape %arg4 : memref<16x3x512x512xf32, #tpu.memory_space<hbm>> -> memref<24576x512xf32, #tpu.memory_space<hbm>>
    %dma_wait3A_127 = arith.constant 0 : i32
    %dma_wait3A_128 = arith.constant 0 : i32
    %dma_wait3A_129 = tpu.memref_slice %dma_wait3A_126[%dma_wait3A_127, %dma_wait3A_128] : memref<24576x512xf32, #tpu.memory_space<hbm>> -> memref<16x512xf32, #tpu.memory_space<hbm>>
    %dma_wait3A_130 = tpu.memref_reshape %arg4 : memref<16x3x512x512xf32, #tpu.memory_space<hbm>> -> memref<24576x512xf32, #tpu.memory_space<hbm>>
    %dma_wait3A_131 = arith.constant 0 : i32
    %dma_wait3A_132 = arith.constant 0 : i32
    %dma_wait3A_133 = tpu.memref_slice %dma_wait3A_130[%dma_wait3A_131, %dma_wait3A_132] : memref<24576x512xf32, #tpu.memory_space<hbm>> -> memref<16x512xf32, #tpu.memory_space<hbm>>
    tpu.wait_dma2 semaphore(%arg20 : memref<!tpu.dma_semaphore, #tpu.memory_space<semaphore_mem>>) src(%arg11 : memref<16x512xf32, #tpu.memory_space<vmem>>) dst(%dma_wait3A_133 : memref<16x512xf32, #tpu.memory_space<hbm>>)
    %dma_wait3A_134 = tpu.memref_reshape %arg4 : memref<16x3x512x512xf32, #tpu.memory_space<hbm>> -> memref<24576x512xf32, #tpu.memory_space<hbm>>
    %dma_wait3A_135 = arith.constant 0 : i32
    %dma_wait3A_136 = arith.constant 0 : i32
    %dma_wait3A_137 = tpu.memref_slice %dma_wait3A_134[%dma_wait3A_135, %dma_wait3A_136] : memref<24576x512xf32, #tpu.memory_space<hbm>> -> memref<16x512xf32, #tpu.memory_space<hbm>>
    %dma_wait3A_138 = tpu.memref_reshape %arg4 : memref<16x3x512x512xf32, #tpu.memory_space<hbm>> -> memref<24576x512xf32, #tpu.memory_space<hbm>>
    %dma_wait3A_139 = arith.constant 0 : i32
    %dma_wait3A_140 = arith.constant 0 : i32
    %dma_wait3A_141 = tpu.memref_slice %dma_wait3A_138[%dma_wait3A_139, %dma_wait3A_140] : memref<24576x512xf32, #tpu.memory_space<hbm>> -> memref<16x512xf32, #tpu.memory_space<hbm>>
    tpu.wait_dma2 semaphore(%arg20 : memref<!tpu.dma_semaphore, #tpu.memory_space<semaphore_mem>>) src(%arg13 : memref<16x512xf32, #tpu.memory_space<vmem>>) dst(%dma_wait3A_141 : memref<16x512xf32, #tpu.memory_space<hbm>>)
    %dma_wait3A_142 = tpu.memref_reshape %arg4 : memref<16x3x512x512xf32, #tpu.memory_space<hbm>> -> memref<24576x512xf32, #tpu.memory_space<hbm>>
    %dma_wait3A_143 = arith.constant 0 : i32
    %dma_wait3A_144 = arith.constant 0 : i32
    %dma_wait3A_145 = tpu.memref_slice %dma_wait3A_142[%dma_wait3A_143, %dma_wait3A_144] : memref<24576x512xf32, #tpu.memory_space<hbm>> -> memref<16x512xf32, #tpu.memory_space<hbm>>
    %dma_wait3A_146 = tpu.memref_reshape %arg4 : memref<16x3x512x512xf32, #tpu.memory_space<hbm>> -> memref<24576x512xf32, #tpu.memory_space<hbm>>
    %dma_wait3A_147 = arith.constant 0 : i32
    %dma_wait3A_148 = arith.constant 0 : i32
    %dma_wait3A_149 = tpu.memref_slice %dma_wait3A_146[%dma_wait3A_147, %dma_wait3A_148] : memref<24576x512xf32, #tpu.memory_space<hbm>> -> memref<16x512xf32, #tpu.memory_space<hbm>>
    tpu.wait_dma2 semaphore(%arg20 : memref<!tpu.dma_semaphore, #tpu.memory_space<semaphore_mem>>) src(%arg15 : memref<16x512xf32, #tpu.memory_space<vmem>>) dst(%dma_wait3A_149 : memref<16x512xf32, #tpu.memory_space<hbm>>)
    return
  }
}

</mosaic_0001>

<sc_bundles>
// kernel: kernel.3.cloned.1.call-start
scs
__scs_entry_jumppad:
0x0: {  	(pc) =	sbr.rel $0x88, $3  }
0x1: {  	(tag) =	ssettag $0x0;
	lr =	simm.s32 $0x1  }
0x2: {  	[smem:$0x3F9F] =	sst lr;
	_ =	strace $0xD0000000  }
0x3: {  	_ = 	snop  }
0x4: {  	_ = 	snop  }
0x5: {  	_ = 	snop  }
0x6: {  	_ = 	snop  }
0x7: {  	_ = 	snop  }
__scs_overlays_trampoline_lowered:
0x8: {  	[smem:$0x3FAE] =	sst s0  }
0x9: {  	[smem:$0x3FAF] =	sst s1  }
0xa: {  	[smem:$0x3FB0] =	sst s2  }
0xb: {  	[smem:$0x3FB1] =	sst s3  }
0xc: {  	[smem:$0x3FB2] =	sst s4  }
0xd: {  	[smem:$0x3FB3] =	sst s5  }
0xe: {  	[smem:$0x3FB4] =	sst s6  }
0xf: {  	[smem:$0x3FB5] =	sst s7  }
0x10: {  	[smem:$0x3FB6] =	sst s8  }
0x11: {  	[smem:$0x3FB7] =	sst s9;
	s0 =	simm.s32 @!p0 $0x0  }
0x12: {  	s1 =	sld [smem:$0x3F9D];
	s0 =	simm.s32 @p0 $0x1  }
0x13: {  	[smem:$0x3FB8] =	sst s0;
	s0 =	simm.s32 @!p1 $0x0  }
0x14: {  	s2 =	sld [smem:$0x3F9C];
	s0 =	simm.s32 @p1 $0x1  }
0x15: {  	[smem:$0x3FB9] =	sst s0;
	s0 =	simm.s32 @!p2 $0x0  }
0x16: {  	s3 =	sld [smem:$0x3FDB];
	s0 =	simm.s32 @p2 $0x1  }
0x17: {  	s4 =	simm.s32 $0x1BF5;
	[smem:$0x3FBB] =	sst s0  }
0x18: {  	s0 =	sld [smem:$0x3F9E];
	_ =	swait.ge [sflag:s4], $0x0  }
0x19: {  	s7 =	sld [smem:$0x3F9F]  }
0x1a: {  	s8 =	sadd.s32 $0xFFFFE003, lr  }
0x1b: {  	s9 =	sadd.s32 $0xFFFFFEF7, lr;
	s5 =	simm.s32 $0xFFFFFFFF;
	p2 =	slt.u32 s8, $0xFFFFF086  }
0x1c: {  	p1 =	slt.u32 s9, $0xF7A;
	s5 =	simm.s32 @!p2 $0x0  }
0x1d: {  	s5 =	simm.s32 @p1 $0x1;
	p0 =	seq.s32 s7, s2  }
0x1e: {  	s7 =	smul.u32 @!p0 $0xF7A, s2;
	p2 =	seq.s32 @!p0 s5, $0x0  }
0x1f: {  	s9 =	smul.u32 $0xF7A, s1;
	s8 =	simm.s32 @!p0 $0x1BF5;
	p2 =	por !p2, p0  }
0x20: {  	[sflag:s8] =	ssyncset.s32 @!p0 $0xFFFFF086;
	s6 =	sadd.s32 @!p0 s3, s7;
	s7 =	simm.s32 @!p0 $0x108  }
0x21: {  	s3 =	sadd.s32 s3, s9;
	s6 =	sadd.s32 @!p0 $0x88, s6;
	s7 =	simm.s32 @p2 $0x1082  }
0x22: {  	[simem:s7], [sflag:s8] =	dma.local @!p0 [hbm:s6], $0xF7A  }
0x23: {  	s9 =	sor.u32 $0xD0000000, s2;
	s6 =	simm.s32 $0x108;
	_ =	swait.ge @!p0 [sflag:s8], $0x0  }
0x24: {  	s3 =	sadd.s32 $0x88, s3;
	s6 =	simm.s32 @!p1 $0x1082;
	[sflag:s4] =	ssyncset.s32 $0xFFFFF086  }
0x25: {  	[simem:s6], [sflag:s4] =	dma.local [hbm:s3], $0xF7A  }
0x26: {  	[smem:$0x3F9F] =	sst s1;
	(tag) =	ssettag s2;
	_ =	strace s9  }
0x27: {  	s1 =	sld [smem:$0x3FAF]  }
0x28: {  	s2 =	sld [smem:$0x3FB0]  }
0x29: {  	s4 =	sld [smem:$0x3FB2]  }
0x2a: {  	p0 =	seq.s32 s5, $0x0;
	s5 =	sld [smem:$0x3FB3]  }
0x2b: {  	s6 =	sld [smem:$0x3FB4]  }
0x2c: {  	s7 =	sld [smem:$0x3FB5]  }
0x2d: {  	s3 =	simm.s32 $0x108;
	s8 =	sld [smem:$0x3FB6]  }
0x2e: {  	s3 =	simm.s32 @!p0 $0x1082;
	s9 =	sld [smem:$0x3FB7]  }
0x2f: {  	lr =	sadd.s32 s0, s3;
	s0 =	sld [smem:$0x3FAE]  }
0x30: {  	s3 =	sld [smem:$0x3FB1]  }
0x31: {  	[smem:$0x3FBA] =	sst s10  }
0x32: {  	s10 =	sld [smem:$0x3FB8];
	_ =	sdelay $0x3  }
0x33: {  	p0 =	seq.s32 s10, $0x1;
	s10 =	sld [smem:$0x3FBA];
	_ =	sdelay $0x3  }
0x34: {  	[smem:$0x3FBA] =	sst s10  }
0x35: {  	s10 =	sld [smem:$0x3FB9];
	_ =	sdelay $0x3  }
0x36: {  	p1 =	seq.s32 s10, $0x1;
	s10 =	sld [smem:$0x3FBA];
	_ =	sdelay $0x3  }
0x37: {  	[smem:$0x3FBA] =	sst s10  }
0x38: {  	s10 =	sld [smem:$0x3FBB]  }
0x39: {  	_ = 	snop;
	(pc) =	sbr.ind lr, $3  }
0x3a: {  	_ = 	snop  }
0x3b: {  	_ = 	snop  }
0x3c: {  	p2 =	seq.s32 s10, $0x1;
	s10 =	sld [smem:$0x3FBA]  }
0x3d: {  	_ =	shalt  }
0x3e: {  	_ =	shalt  }
0x3f: {  	_ =	shalt  }
0x40: {  	_ =	shalt  }
0x41: {  	_ =	shalt  }
0x42: {  	_ =	shalt  }
0x43: {  	_ =	shalt  }
0x44: {  	_ =	shalt  }
0x45: {  	_ =	shalt  }
0x46: {  	_ =	shalt  }
0x47: {  	_ =	shalt  }
0x48: {  	_ =	shalt  }
0x49: {  	_ =	shalt  }
0x4a: {  	_ =	shalt  }
0x4b: {  	_ =	shalt  }
0x4c: {  	_ =	shalt  }
0x4d: {  	_ =	shalt  }
0x4e: {  	_ =	shalt  }
0x4f: {  	_ =	shalt  }
0x50: {  	_ =	shalt  }
0x51: {  	_ =	shalt  }
0x52: {  	_ =	shalt  }
0x53: {  	_ =	shalt  }
0x54: {  	_ =	shalt  }
0x55: {  	_ =	shalt  }
0x56: {  	_ =	shalt  }
0x57: {  	_ =	shalt  }
0x58: {  	_ =	shalt  }
0x59: {  	_ =	shalt  }
0x5a: {  	_ =	shalt  }
0x5b: {  	_ =	shalt  }
0x5c: {  	_ =	shalt  }
0x5d: {  	_ =	shalt  }
0x5e: {  	_ =	shalt  }
0x5f: {  	_ =	shalt  }
0x60: {  	_ =	shalt  }
0x61: {  	_ =	shalt  }
0x62: {  	_ =	shalt  }
0x63: {  	_ =	shalt  }
0x64: {  	_ =	shalt  }
0x65: {  	_ =	shalt  }
0x66: {  	_ =	shalt  }
0x67: {  	_ =	shalt  }
0x68: {  	_ =	shalt  }
0x69: {  	_ =	shalt  }
0x6a: {  	_ =	shalt  }
0x6b: {  	_ =	shalt  }
0x6c: {  	_ =	shalt  }
0x6d: {  	_ =	shalt  }
0x6e: {  	_ =	shalt  }
0x6f: {  	_ =	shalt  }
0x70: {  	_ =	shalt  }
0x71: {  	_ =	shalt  }
0x72: {  	_ =	shalt  }
0x73: {  	_ =	shalt  }
0x74: {  	_ =	shalt  }
0x75: {  	_ =	shalt  }
0x76: {  	_ =	shalt  }
0x77: {  	_ =	shalt  }
0x78: {  	_ =	shalt  }
0x79: {  	_ =	shalt  }
0x7a: {  	_ =	shalt  }
0x7b: {  	_ =	shalt  }
0x7c: {  	_ =	shalt  }
0x7d: {  	_ =	shalt  }
0x7e: {  	_ =	shalt  }
0x7f: {  	_ =	shalt  }
0x80: {  	_ =	shalt  }
0x81: {  	_ =	shalt  }
0x82: {  	_ =	shalt  }
0x83: {  	_ =	shalt  }
0x84: {  	_ =	shalt  }
0x85: {  	_ =	shalt  }
0x86: {  	_ =	shalt  }
0x87: {  	_ =	shalt  }
.Lfunc_end0:
.L_simem_size_0:
called_computation_lowered:
.L_overlay_start_0:
0x88: {  	s2 =	sld [smem:$0x3FD9]  }
0x89: {  	s3 =	sld [smem:$0x3FFE];
	_ =	sdelay $0x1  }
0x8a: {  	s1 =	srdreg.scid  }
0x8b: {  	s0 =	sand.u32 $0x1, s1  }
0x8c: {  	s17 =	sshll.u32 s0, $0xA;
	s2 =	sadd.s32 s3, s2  }
0x8d: {  	s2 =	sadd.s32 s2, s17  }
0x8e: {  	[smem:$0x3FC6] =	sst s2  }
0x8f: {  	_ = 	snop  }
0x90: {  	s2 =	sld [smem:$0x3FC9]  }
0x91: {  	s18 =	sld [smem:$0x3FD0];
	(tm) =	ssettm $0x1  }
0x92: {  	s4 =	sld [smem:$0x3FFB];
	_ =	sdelay $0x3  }
0x93: {  	_ =	strace s4  }
0x94: {  	s4 =	sld [smem:$0x3FFC];
	_ =	sdelay $0x3  }
0x95: {  	_ =	strace s4  }
0x96: {  	s4 =	sld [smem:$0x3FFD];
	_ =	sdelay $0x3  }
0x97: {  	_ =	strace s4  }
0x98: {  	_ =	strace $0x8FFFFFFF  }
0x99: {  	s19 =	sld [smem:$0x3FDB];
	_ =	sdelay $0x1  }
0x9a: {  	s5 =	simm.s32 $_scs_section_size  }
0x9b: {  	s6 =	simm.s32 $_size__tile_overlayer_lowered;
	s7 =	simm.s32 $_tile_overlayer_lowered  }
0x9c: {  	s22 =	simm.s32 $0x1BFF;
	s21 =	sshll.u32 s7, $0x1;
	s4 =	sadd.s32 s5, s19  }
0x9d: {  	s8 =	simm.s32 $0x0;
	s20 =	sshll.u32 s6, $0x1;
	s6 =	sadd.s32 s21, s4  }
0x9e: {  	[timem:s8], [sflag:s22] =	dma.local [hbm:s6], s20  }
0x9f: {  	_ =	swait.ge [sflag:s22], s20  }
0xa0: {  	s5 =	ssub.s32 $0x0, s20;
	[sflag:s22] =	ssyncset.done $0x0  }
0xa1: {  	[sflag:s22] =	ssyncadd.s32 s5;
	_ =	sdelay $0x1  }
0xa2: {  	s23 =	simm.s32 $0x1B8B  }
0xa3: {  	_ =	swait.ge [sflag:s23], $0x1  }
0xa4: {  	[sflag:s23] =	ssyncset.done $0x0  }
0xa5: {  	s25 =	simm.s32 $0x1B8E;
	s24 =	sld [smem:$0x3FFE];
	[sflag:s23] =	ssyncadd.s32 $0xFFFFFFFF  }
0xa6: {  	s26 =	simm.s32 $execute0_lowered;
	[smem:$0x3FD2] =	sst s25  }
0xa7: {  	s6 =	sshll.u32 s26, $0x1;
	_ =	strace $0x80000046;
	[dreg:$0x1] =	wrdreg $0xFFFFFFFF  }
0xa8: {  	s28 =	simm.s32 $_size_execute0_lowered;
	s4 =	sadd.s32 s4, s6;
	[dreg:$0x0] =	wrdreg $0x0  }
0xa9: {  	s6 =	sshll.u32 s28, $0x1;
	[dreg:$0x2] =	wrdreg s4  }
0xaa: {  	[dreg:$0x3] =	wrdreg s6  }
0xab: {  	[dreg:$0x4] =	wrdreg $0xC0  }
0xac: {  	_ =	task [dreg:s8], $0x5FFFF  }
0xad: {  	[dreg:$0x1] =	wrdreg $0xFFFFFFFF  }
0xae: {  	[dreg:$0x0] =	wrdreg $0x60  }
0xaf: {  	[dreg:$0x2] =	wrdreg s2  }
0xb0: {  	[dreg:$0x3] =	wrdreg s24  }
0xb1: {  	[dreg:$0x4] =	wrdreg s18  }
0xb2: {  	[dreg:$0x5] =	wrdreg $0x9  }
0xb3: {  	_ =	task.clear_ibuf [dreg:s8], $0x6FFFF;
	_ =	strace $0x90000046  }
0xb4: {  	s29 =	simm.s32 $0x9;
	_ =	strace $0x80000048  }
0xb5: {  	_ =	swait.ge [sflag:s29], $0x1  }
0xb6: {  	[sflag:s29] =	ssyncadd.s32 $0xFFFFFFFF  }
0xb7: {  	_ =	strace $0x90000048  }
0xb8: {  	_ =	sfence  }
0xb9: {  	s30 =	sld [smem:$0x0];
	_ =	sdelay $0x2  }
0xba: {  	s31 =	sshll.u32 s1, $0xD;
	s1 =	sshrl.u32 s1, $0x2  }
0xbb: {  	s3 =	sand.u32 $0x4000, s31;
	s1 =	sadd.s32 s1, s30  }
0xbc: {  	s0 =	sor.u32 s3, s0;
	s1 =	sshll.u32 s1, $0x11  }
0xbd: {  	s0 =	sor.u32 s1, s0  }
0xbe: {  	s0 =	sadd.s32 $0x8F2B, s0  }
0xbf: {  	[sflag:s0] =	ssyncadd.remote.s32 $0x1  }
0xc0: {  	_ =	sfence.sel $0xFFFF  }
0xc1: {  	[dreg:$0x0] =	wrdreg $0xFFFFFFFF;
	(pc) =	sbr.abs _section_cstart, $3  }
0xc2: {  	[dreg:$0x1] =	wrdreg $0xFFFFFFFF  }
0xc3: {  	_ =	task.clear_ibuf [dreg:s8], $0x2FFFF;
	_ =	strace $0x9FFFFFFF  }
0xc4: {  	(tm) =	ssettm $0x7FFFFFFF  }
0xc5: {  	_ =	shalt  }
tec
execute0_lowered:
.L_overlay_start_1:
0x0: {  	(tag) =	ssettag $0x1  }
0x1: {  	s0 =	srdreg.scid  }
0x2: {  	s3 =	stileid.u32;
	s5 =	rddreg [dreg:$0x1]  }
0x3: {  	s6 =	simm.s32 $0x1;
	s4 =	simm.s32 $0x0;
	s15 =	simm.s32 $0x400  }
0x4: {  	s16 =	simm.s32 $0x800;
	s18 =	simm.s32 $0x2C00;
	s19 =	simm.s32 $0x2  }
0x5: {  	s20 =	simm.s32 $0x4C00;
	s21 =	simm.s32 $0x8C00;
	s0 =	sand.u32 $0x1, s0  }
0x6: {  	s2 =	sshll.u32 s3, $0x11;
	s22 =	sand.u32 $0x1, s3;
	s3 =	rddreg [dreg:$0x2]  }
0x7: {  	s28 =	simm.s32 $0xEC00;
	[smem:$0x7FF] =	sst s4;
	s1 =	sshll.u32 s0, $0x15  }
0x8: {  	s8 =	sadd.s32 $0x400, s5;
	s9 =	sadd.s32 $0x480, s5;
	s2 =	sor.u32 s2, s1  }
0x9: {  	s5 =	sadd.s32 $0x500, s5;
	p1 =	seq.s32 s22, $0x1;
	p0 =	seq.s32 s2, $0x0  }
0xa: {  	s0 =	ssub.s32 $0x2, s0;
	s22 =	simm.s32 $0xCC00;
	p0 =	por !p0, !p1  }
0xb: {  	s1 =	rddreg [dreg:$0x0];
	_ =	strace $0x80000047;
	p0 =	por !p0, !p0  }
0xc: {  	[dreg:$0x4] =	wrdreg s8;
	s7 =	sshrl.u32 s2, $0x12;
	s6 =	simm.s32 @!p0 $0x0  }
0xd: {  	s24 =	sshrl.u32 s0, $0x1;
	[dreg:$0x5] =	wrdreg s9;
	s6 =	ssub.s32 s7, s6  }
0xe: {  	[dreg:$0x6] =	wrdreg s5;
	s0 =	ssub.s32 s0, s24;
	s7 =	sshll.u32 s6, $0x12  }
0xf: {  	s23 =	sshll.u32 s6, $0x9;
	s6 =	smul.u32 $0x600, s6;
	s2 =	ssub.s32 s2, s7  }
0x10: {  	s24 =	simm.s32 $0x5;
	s0 =	smax.u32 s0, $0x1;
	s2 =	sshra.s32 s2, $0x9  }
0x11: {  	[dreg:$0x9] =	wrdreg s0;
	s7 =	sadd.s32 s23, s2;
	s9 =	sadd.s32 s6, s2  }
.Ltmp0:
0x12: {  	s23 =	simm.s32 $0x3;
	s25 =	sshll.u32 s7, $0x6;
	(pc) =	sbr.rel .LBB2_1-.Ltmp0, $4  }
0x13: {  	s31 =	sshll.u32 s7, $0x9;
	s26 =	sand.u32 $0x1FFFC000, s25;
	s30 =	sadd.s32 s1, s25  }
0x14: {  	s12 =	sor.u32 $0x4000, s31;
	s13 =	sor.u32 $0x6000, s31;
	s29 =	sadd.s32 s26, s1  }
0x15: {  	s25 =	simm.s32 $0x6C00;
	[dreg:$0x7] =	wrdreg s30;
	s2 =	sadd.s32 $0x400, s29  }
0x16: {  	s26 =	simm.s32 $0xAC00;
	[dreg:$0x8] =	wrdreg s2;
	s2 =	simm.s32 $0x0  }
.LBB2_16:
0x17: {  	s0 =	simm.s32 $0x4  }
0x18: {  	_ =	swait.ge [sflag:s0], $0x2000  }
0x19: {  	[sflag:s0] =	ssyncset.done $0x0  }
0x1a: {  	[sflag:s0] =	ssyncadd.s32 $0xFFFFE000  }
0x1b: {  	_ =	swait.ge [sflag:s0], $0x2000  }
0x1c: {  	[sflag:s0] =	ssyncset.done $0x0  }
0x1d: {  	[sflag:s0] =	ssyncadd.s32 $0xFFFFE000  }
0x1e: {  	_ =	swait.ge [sflag:s0], $0x2000  }
0x1f: {  	[sflag:s0] =	ssyncset.done $0x0  }
0x20: {  	[sflag:s0] =	ssyncadd.s32 $0xFFFFE000  }
0x21: {  	_ =	swait.ge [sflag:s24], $0x2000  }
0x22: {  	[sflag:s24] =	ssyncset.done $0x0  }
0x23: {  	[sflag:s24] =	ssyncadd.s32 $0xFFFFE000  }
0x24: {  	_ =	swait.ge [sflag:s24], $0x2000  }
0x25: {  	[sflag:s24] =	ssyncset.done $0x0  }
0x26: {  	[sflag:s24] =	ssyncadd.s32 $0xFFFFE000  }
0x27: {  	_ =	swait.ge [sflag:s24], $0x2000  }
0x28: {  	s2 =	rddreg [dreg:$0xa]  }
0x29: {  	s31 =	rddreg [dreg:$0x9];
	s2 =	sadd.s32 $0x1, s2  }
0x2a: {  	p0 =	sne.s32 s2, s31  }
.Ltmp1:
0x2b: {  	_ = 	snop;
	(pc) =	sbr.rel @!p0 .LBB2_17-.Ltmp1, $3  }
0x2c: {  	_ =	sdelay $0x1  }
0x2d: {  	[sflag:s24] =	ssyncset.done $0x0  }
0x2e: {  	[sflag:s24] =	ssyncadd.s32 $0xFFFFE000  }
.LBB2_1:
0x2f: {  	[dreg:$0xa] =	wrdreg s2  }
0x30: {  	s0 =	rddreg [dreg:$0x4]  }
0x31: {  	[tilespmem:s4], [sflag:$0x1] =	stream.linear.gather [hbm4b:s0+s4], $0x400, $0x38;
	[tilespmem:$0x10C00] =	vst v63  }
0x32: {  	s10 =	rddreg [dreg:$0x5]  }
0x33: {  	[tilespmem:s15], [sflag:$0x1] =	stream.linear.gather [hbm4b:s10+s4], $0x400, $0x38;
	[tilespmem:$0x10C00] =	vst v63  }
0x34: {  	s11 =	rddreg [dreg:$0x6]  }
0x35: {  	[tilespmem:s16], [sflag:$0x1] =	stream.linear.gather [hbm4b:s11+s4], $0x400, $0x38;
	[tilespmem:$0x10C00] =	vst v63  }
0x36: {  	s14 =	rddreg [dreg:$0x7];
	s17 =	simm.s32 $0xC00  }
0x37: {  	[tilespmem:s17], [sflag:$0x2] =	stream.linear.gather [hbm4b:s14+s4], $0x2000, $0x38;
	[tilespmem:$0x10C00] =	vst v63  }
0x38: {  	s29 =	rddreg [dreg:$0x8];
	s30 =	simm.s32 $0x1  }
0x39: {  	[tilespmem:s18], [sflag:$0x3] =	stream.linear.gather [hbm4b:s29+s4], $0x2000, $0x38;
	[tilespmem:$0x10C00] =	vst v63  }
0x3a: {  	_ =	swait.ge [sflag:s30], $0x400  }
0x3b: {  	[sflag:s30] =	ssyncset.done $0x0  }
0x3c: {  	[sflag:s30] =	ssyncadd.s32 $0xFFFFFC00  }
0x3d: {  	_ =	swait.ge [sflag:s30], $0x400  }
0x3e: {  	[sflag:s30] =	ssyncset.done $0x0  }
0x3f: {  	[sflag:s30] =	ssyncadd.s32 $0xFFFFFC00  }
0x40: {  	_ =	swait.ge [sflag:s30], $0x400  }
0x41: {  	[sflag:s30] =	ssyncset.done $0x0  }
0x42: {  	s31 =	simm.s32 $0x0;
	[sflag:s30] =	ssyncadd.s32 $0xFFFFFC00  }
.LBB2_2:
0x43: {  	_ =	swait.ge [sflag:s19], $0x2000  }
0x44: {  	p0 =	seq.s32 s31, $0x0;
	[sflag:s19] =	ssyncset.done $0x0  }
0x45: {  	s0 =	simm.s32 @!p0 $0x4;
	[sflag:s19] =	ssyncadd.s32 $0xFFFFE000  }
0x46: {  	_ =	swait.ge @!p0 [sflag:s0], $0x2000  }
0x47: {  	[sflag:s0] =	ssyncset.done @!p0 $0x0  }
0x48: {  	[sflag:s0] =	ssyncadd.s32 @!p0 $0xFFFFE000  }
0x49: {  	_ =	swait.ge @!p0 [sflag:s0], $0x2000  }
0x4a: {  	[sflag:s0] =	ssyncset.done @!p0 $0x0  }
0x4b: {  	[sflag:s0] =	ssyncadd.s32 @!p0 $0xFFFFE000  }
0x4c: {  	_ =	swait.ge @!p0 [sflag:s0], $0x2000  }
0x4d: {  	s2 =	sshll.u32 s31, $0xE;
	[sflag:s0] =	ssyncset.done @!p0 $0x0  }
0x4e: {  	s5 =	simm.s32 $0x0;
	[sflag:s0] =	ssyncadd.s32 @!p0 $0xFFFFE000;
	s0 =	simm.s32 $0x0  }
.LBB2_3:
0x4f: {  	s6 =	sshll.u32 s5, $0x9;
	s7 =	sshll.u32 s5, $0x7  }
0x50: {  	s8 =	simm.s32 $0x0;
	s6 =	sand.u32 $0x1000, s6;
	s7 =	sand.u32 $0x380, s7  }
0x51: {  	s14 =	sand.u32 $0x40, s8;
	s10 =	sor.u32 s6, s7  }
0x52: {  	s17 =	sand.u32 $0xC00, s0;
	s6 =	sor.u32 s14, s10  }
0x53: {  	s7 =	sor.u32 s17, s6  }
0x54: {  	v0 =	vld [tilespmem:s7+$0xC30];
	_ =	sdelay $0x1  }
0x55: {  	v1 =	vld [tilespmem:s7+$0xC00]  }
0x56: {  	v2 =	vld [tilespmem:s7+$0xC10];
	_ =	sdelay $0x1  }
0x57: {  	v0 =	vmul.f32 $1.024000000e+03, v0  }
0x58: {  	v3 =	vld [tilespmem:s7+$0xC20]  }
0x59: {  	v1 =	vmul.f32 $1.024000000e+03, v1;
	v0 =	vadd.f32 $8.388608000e+06, v0  }
0x5a: {  	v2 =	vmul.f32 $1.024000000e+03, v2  }
0x5b: {  	v1 =	vadd.f32 $8.388608000e+06, v1;
	v0 =	vadd.f32 $-8.388608000e+06, v0  }
0x5c: {  	s29 =	simm.s32 $0x40;
	v2 =	vadd.f32 $8.388608000e+06, v2  }
0x5d: {  	s30 =	simm.s32 $0x200;
	s6 =	sand.u32 $0x40, s29;
	v3 =	vmul.f32 $1.024000000e+03, v3;
	v1 =	vadd.f32 $-8.388608000e+06, v1;
	v0 =	vmax.f32 v0, $0.0e+00  }
0x5e: {  	s8 =	sand.u32 $0xC00, s30;
	s6 =	sor.u32 s6, s10;
	v2 =	vadd.f32 $-8.388608000e+06, v2;
	v0 =	vmin.f32 v0, $1.023000000e+03  }
0x5f: {  	s6 =	sor.u32 s8, s6;
	v3 =	vadd.f32 $8.388608000e+06, v3;
	v1 =	vmax.f32 v1, $0.0e+00;
	v0 =	vtrunc.f32 v0  }
0x60: {  	v2 =	vmax.f32 v2, $0.0e+00;
	v4 =	vcvt.f32.s32 v0;
	v0 =	vmin.f32 v1, $1.023000000e+03;
	v1 =	vld [tilespmem:s6+$0xC30]  }
0x61: {  	v3 =	vadd.f32 $-8.388608000e+06, v3;
	v2 =	vmin.f32 v2, $1.023000000e+03  }
0x62: {  	v6 =	vld [tilespmem:s6+$0xC00];
	v2 =	vtrunc.f32 v2;
	v0 =	vtrunc.f32 v0  }
0x63: {  	v5 =	vcvt.f32.s32 v0;
	v0 =	vcvt.f32.s32 v2;
	v2 =	vmax.f32 v3, $0.0e+00;
	v3 =	vld [tilespmem:s6+$0xC10]  }
0x64: {  	v7 =	vld [tilespmem:s6+$0xC20]  }
0x65: {  	v2 =	vmin.f32 v2, $1.023000000e+03;
	v8 =	vmul.f32 $1.024000000e+03, v1  }
0x66: {  	v1 =	vtrunc.f32 v2;
	v2 =	vld.idx.msk [tilespmem:v4+s4+$0x0], $0xffff  }
0x67: {  	s14 =	simm.s32 $0x80;
	v6 =	vmul.f32 $1.024000000e+03, v6;
	v8 =	vadd.f32 $8.388608000e+06, v8  }
0x68: {  	s11 =	sand.u32 $0x40, s14;
	s8 =	simm.s32 $0x400;
	v1 =	vcvt.f32.s32 v1;
	v3 =	vmul.f32 $1.024000000e+03, v3  }
0x69: {  	s11 =	sor.u32 s11, s10;
	s29 =	sand.u32 $0xC00, s8;
	v7 =	vmul.f32 $1.024000000e+03, v7;
	v6 =	vadd.f32 $8.388608000e+06, v6;
	v9 =	vld.idx.msk [tilespmem:v5+s4+$0x0], $0xffff;
	v8 =	vadd.f32 $-8.388608000e+06, v8  }
0x6a: {  	s11 =	sor.u32 s29, s11;
	v10 =	vld.idx.msk [tilespmem:v0+s4+$0x0], $0xffff;
	v3 =	vadd.f32 $8.388608000e+06, v3  }
0x6b: {  	v12 =	vld [tilespmem:s11+$0xC30];
	v7 =	vadd.f32 $8.388608000e+06, v7;
	v6 =	vadd.f32 $-8.388608000e+06, v6;
	[tilespmem:s7+$0x4C30] =	vst v2;
	v2 =	vmax.f32 v8, $0.0e+00  }
0x6c: {  	v3 =	vadd.f32 $-8.388608000e+06, v3;
	v8 =	vld.idx.msk [tilespmem:v4+s15+$0x0], $0xffff;
	v2 =	vmin.f32 v2, $1.023000000e+03  }
0x6d: {  	v13 =	vld [tilespmem:s11+$0xC00];
	v7 =	vadd.f32 $-8.388608000e+06, v7;
	v6 =	vmax.f32 v6, $0.0e+00;
	v2 =	vtrunc.f32 v2  }
0x6e: {  	v6 =	vmin.f32 v6, $1.023000000e+03;
	v11 =	vld.idx.msk [tilespmem:v1+s4+$0x0], $0xffff;
	[tilespmem:s7+$0x4C00] =	vst v9;
	v3 =	vmax.f32 v3, $0.0e+00;
	v2 =	vcvt.f32.s32 v2  }
0x6f: {  	v7 =	vmax.f32 v7, $0.0e+00;
	v6 =	vtrunc.f32 v6;
	[tilespmem:s7+$0x4C10] =	vst v10;
	v9 =	vld.idx.msk [tilespmem:v5+s15+$0x0], $0xffff;
	v3 =	vmin.f32 v3, $1.023000000e+03  }
0x70: {  	v7 =	vmin.f32 v7, $1.023000000e+03;
	v6 =	vcvt.f32.s32 v6;
	v10 =	vld.idx.msk [tilespmem:v0+s15+$0x0], $0xffff;
	v3 =	vtrunc.f32 v3  }
0x71: {  	v7 =	vtrunc.f32 v7;
	v3 =	vcvt.f32.s32 v3;
	[tilespmem:s7+$0x8C30] =	vst v8;
	v8 =	vld [tilespmem:s11+$0xC10]  }
0x72: {  	v14 =	vld.idx.msk [tilespmem:v4+s16+$0x0], $0xffff;
	v4 =	vcvt.f32.s32 v7  }
0x73: {  	v15 =	vld [tilespmem:s11+$0xC20]  }
0x74: {  	[tilespmem:s7+$0x4C20] =	vst v11;
	v11 =	vmul.f32 $1.024000000e+03, v12;
	v7 =	vld.idx.msk [tilespmem:v2+s4+$0x0], $0xffff  }
0x75: {  	v12 =	vld.idx.msk [tilespmem:v1+s15+$0x0], $0xffff  }
0x76: {  	v13 =	vmul.f32 $1.024000000e+03, v13;
	v16 =	vadd.f32 $8.388608000e+06, v11;
	v11 =	vld.idx.msk [tilespmem:v6+s4+$0x0], $0xffff;
	[tilespmem:s7+$0x8C00] =	vst v9  }
0x77: {  	[tilespmem:s7+$0x8C10] =	vst v10;
	v9 =	vld.idx.msk [tilespmem:v3+s4+$0x0], $0xffff;
	v10 =	vmul.f32 $1.024000000e+03, v8  }
0x78: {  	v13 =	vadd.f32 $8.388608000e+06, v13;
	v16 =	vadd.f32 $-8.388608000e+06, v16;
	[tilespmem:s7+$0xCC30] =	vst v14;
	v8 =	vld.idx.msk [tilespmem:v4+s4+$0x0], $0xffff  }
0x79: {  	v15 =	vmul.f32 $1.024000000e+03, v15;
	v14 =	vadd.f32 $8.388608000e+06, v10;
	[tilespmem:s6+$0x4C30] =	vst v7;
	v7 =	vld.idx.msk [tilespmem:v5+s16+$0x0], $0xffff  }
0x7a: {  	v13 =	vadd.f32 $-8.388608000e+06, v13;
	v16 =	vmax.f32 v16, $0.0e+00;
	v5 =	vmov v6;
	v10 =	vld.idx.msk [tilespmem:v2+s15+$0x0], $0xffff  }
.LBB2_4:
0x7b: {  	s14 =	sadd.s32 $0x40, s14;
	v14 =	vadd.f32 $-8.388608000e+06, v14;
	v15 =	vadd.f32 $8.388608000e+06, v15;
	v16 =	vmin.f32 v16, $1.023000000e+03;
	v17 =	vld.idx.msk [tilespmem:v0+s16+$0x0], $0xffff;
	[tilespmem:s7+$0x8C20] =	vst v12;
	v0 =	vmovc v3  }
0x7c: {  	v12 =	vmax.f32 v13, $0.0e+00;
	s8 =	sadd.s32 $0x200, s8;
	s29 =	sand.u32 $0x40, s14;
	p1 =	slt.u32 s14, $0x1C0;
	v13 =	vtrunc.f32 v16;
	[tilespmem:s6+$0x4C00] =	vst v11;
	v11 =	vld.idx.msk [tilespmem:v1+s16+$0x0], $0xffff;
	v1 =	vmov v4  }
0x7d: {  	s30 =	sand.u32 $0xC00, s8;
	s29 =	sor.u32 s29, s10;
	v4 =	vmax.f32 v14, $0.0e+00;
	v14 =	vadd.f32 $-8.388608000e+06, v15;
	v13 =	vcvt.f32.s32 v13;
	v15 =	vld.idx.msk [tilespmem:v6+s15+$0x0], $0xffff;
	[tilespmem:s6+$0x4C10] =	vst v9  }
0x7e: {  	v6 =	vmin.f32 v12, $1.023000000e+03;
	s29 =	sor.u32 s30, s29;
	v4 =	vmin.f32 v4, $1.023000000e+03;
	v9 =	vld.idx.msk [tilespmem:v3+s15+$0x0], $0xffff;
	[tilespmem:s6+$0x4C20] =	vst v8  }
0x7f: {  	v3 =	vtrunc.f32 v6;
	v8 =	vld [tilespmem:s29+$0xC30];
	v4 =	vtrunc.f32 v4;
	v12 =	vmax.f32 v14, $0.0e+00;
	[tilespmem:s7+$0xCC00] =	vst v7  }
0x80: {  	v6 =	vcvt.f32.s32 v3;
	v7 =	vld [tilespmem:s29+$0xC00];
	v3 =	vcvt.f32.s32 v4;
	v4 =	vmin.f32 v12, $1.023000000e+03;
	[tilespmem:s6+$0x8C30] =	vst v10  }
0x81: {  	v4 =	vtrunc.f32 v4;
	v10 =	vld.idx.msk [tilespmem:v2+s16+$0x0], $0xffff;
	[tilespmem:s7+$0xCC10] =	vst v17;
	v2 =	vmov v13  }
0x82: {  	v14 =	vld [tilespmem:s29+$0xC10];
	v4 =	vcvt.f32.s32 v4;
	[tilespmem:s7+$0xCC20] =	vst v11;
	s7 =	smov.u32 s6;
	s6 =	smov.u32 s11;
	s11 =	smov.u32 s29  }
0x83: {  	v16 =	vld.idx.msk [tilespmem:v13+s4+$0x0], $0xffff;
	[tilespmem:s7+$0x8C00] =	vst v15  }
0x84: {  	v15 =	vld [tilespmem:s11+$0xC20];
	v8 =	vmul.f32 $1.024000000e+03, v8;
	[tilespmem:s7+$0x8C10] =	vst v9  }
0x85: {  	v7 =	vmul.f32 $1.024000000e+03, v7;
	v12 =	vld.idx.msk [tilespmem:v1+s15+$0x0], $0xffff  }
.Ltmp2:
0x86: {  	v8 =	vadd.f32 $8.388608000e+06, v8;
	v11 =	vld.idx.msk [tilespmem:v6+s4+$0x0], $0xffff;
	(pc) =	sbr.rel @p1 .LBB2_4-.Ltmp2, $4  }
0x87: {  	v7 =	vadd.f32 $8.388608000e+06, v7;
	v14 =	vmul.f32 $1.024000000e+03, v14;
	v9 =	vld.idx.msk [tilespmem:v3+s4+$0x0], $0xffff;
	[tilespmem:s7+$0xCC30] =	vst v10  }
0x88: {  	v10 =	vadd.f32 $-8.388608000e+06, v8;
	v8 =	vld.idx.msk [tilespmem:v4+s4+$0x0], $0xffff  }
0x89: {  	v13 =	vadd.f32 $-8.388608000e+06, v7;
	v14 =	vadd.f32 $8.388608000e+06, v14;
	v15 =	vmul.f32 $1.024000000e+03, v15;
	[tilespmem:s6+$0x4C30] =	vst v16;
	v7 =	vld.idx.msk [tilespmem:v5+s16+$0x0], $0xffff;
	v5 =	vmovc v6  }
0x8a: {  	v16 =	vmax.f32 v10, $0.0e+00;
	v10 =	vld.idx.msk [tilespmem:v2+s15+$0x0], $0xffff  }
0x8b: {  	v15 =	vadd.f32 $8.388608000e+06, v15  }
0x8c: {  	v14 =	vadd.f32 $-8.388608000e+06, v14;
	v16 =	vmin.f32 v16, $1.023000000e+03  }
0x8d: {  	v13 =	vmax.f32 v13, $0.0e+00;
	v16 =	vtrunc.f32 v16;
	v15 =	vadd.f32 $-8.388608000e+06, v15  }
0x8e: {  	v13 =	vmin.f32 v13, $1.023000000e+03;
	v14 =	vmax.f32 v14, $0.0e+00;
	v16 =	vcvt.f32.s32 v16  }
0x8f: {  	[tilespmem:s7+$0x8C20] =	vst v12;
	v13 =	vtrunc.f32 v13;
	v42 =	vmin.f32 v14, $1.023000000e+03;
	v43 =	vmax.f32 v15, $0.0e+00  }
0x90: {  	v0 =	vld.idx.msk [tilespmem:v0+s16+$0x0], $0xffff;
	[tilespmem:s6+$0x4C00] =	vst v11;
	v45 =	vcvt.f32.s32 v13;
	v44 =	vtrunc.f32 v42;
	v46 =	vmin.f32 v43, $1.023000000e+03  }
0x91: {  	v1 =	vld.idx.msk [tilespmem:v1+s16+$0x0], $0xffff;
	[tilespmem:s6+$0x4C10] =	vst v9;
	v47 =	vcvt.f32.s32 v44;
	v48 =	vtrunc.f32 v46  }
0x92: {  	v6 =	vld.idx.msk [tilespmem:v6+s15+$0x0], $0xffff;
	[tilespmem:s6+$0x4C20] =	vst v8;
	v49 =	vcvt.f32.s32 v48  }
0x93: {  	v50 =	vld.idx.msk [tilespmem:v3+s15+$0x0], $0xffff;
	[tilespmem:s7+$0xCC00] =	vst v7  }
0x94: {  	v55 =	vld.idx.msk [tilespmem:v4+s15+$0x0], $0xffff;
	[tilespmem:s6+$0x8C30] =	vst v10  }
0x95: {  	[tilespmem:s7+$0xCC10] =	vst v0;
	v51 =	vld.idx.msk [tilespmem:v16+s4+$0x0], $0xffff  }
0x96: {  	[tilespmem:s7+$0xCC20] =	vst v1;
	v52 =	vld.idx.msk [tilespmem:v45+s4+$0x0], $0xffff  }
0x97: {  	[tilespmem:s6+$0x8C00] =	vst v6;
	v53 =	vld.idx.msk [tilespmem:v47+s4+$0x0], $0xffff  }
0x98: {  	[tilespmem:s6+$0x8C10] =	vst v50;
	v54 =	vld.idx.msk [tilespmem:v49+s4+$0x0], $0xffff  }
0x99: {  	v2 =	vld.idx.msk [tilespmem:v2+s16+$0x0], $0xffff;
	[tilespmem:s6+$0x8C20] =	vst v55  }
0x9a: {  	v56 =	vld.idx.msk [tilespmem:v5+s16+$0x0], $0xffff;
	[tilespmem:s11+$0x4C30] =	vst v51  }
0x9b: {  	v57 =	vld.idx.msk [tilespmem:v16+s15+$0x0], $0xffff;
	[tilespmem:s11+$0x4C00] =	vst v52  }
0x9c: {  	v1 =	vld.idx.msk [tilespmem:v45+s15+$0x0], $0xffff;
	[tilespmem:s11+$0x4C10] =	vst v53  }
0x9d: {  	v58 =	vld.idx.msk [tilespmem:v47+s15+$0x0], $0xffff;
	[tilespmem:s11+$0x4C20] =	vst v54  }
0x9e: {  	[tilespmem:s6+$0xCC30] =	vst v2;
	v59 =	vld.idx.msk [tilespmem:v49+s15+$0x0], $0xffff  }
0x9f: {  	v60 =	vld.idx.msk [tilespmem:v3+s16+$0x0], $0xffff;
	[tilespmem:s6+$0xCC00] =	vst v56  }
0xa0: {  	v61 =	vld.idx.msk [tilespmem:v4+s16+$0x0], $0xffff;
	[tilespmem:s11+$0x8C30] =	vst v57  }
0xa1: {  	v2 =	vld.idx.msk [tilespmem:v16+s16+$0x0], $0xffff;
	[tilespmem:s11+$0x8C00] =	vst v1  }
0xa2: {  	v1 =	vld.idx.msk [tilespmem:v45+s16+$0x0], $0xffff;
	[tilespmem:s11+$0x8C10] =	vst v58  }
0xa3: {  	s5 =	sadd.s32 $0x1, s5;
	v62 =	vld.idx.msk [tilespmem:v47+s16+$0x0], $0xffff;
	[tilespmem:s11+$0x8C20] =	vst v59  }
0xa4: {  	p1 =	sne.s32 s5, $0x10;
	[tilespmem:s6+$0xCC10] =	vst v60;
	v63 =	vld.idx.msk [tilespmem:v49+s16+$0x0], $0xffff  }
.Ltmp3:
0xa5: {  	[tilespmem:s6+$0xCC20] =	vst v61;
	(pc) =	sbr.rel @p1 .LBB2_3-.Ltmp3, $4  }
0xa6: {  	[tilespmem:s11+$0xCC30] =	vst v2  }
0xa7: {  	[tilespmem:s11+$0xCC00] =	vst v1  }
0xa8: {  	[tilespmem:s11+$0xCC10] =	vst v62  }
0xa9: {  	[tilespmem:s11+$0xCC20] =	vst v63  }
0xaa: {  	s0 =	sshll.u32 s31, $0x5  }
0xab: {  	s0 =	sor.u32 s9, s0  }
0xac: {  	s5 =	sshll.u32 s0, $0x6;
	s30 =	sshll.u32 s0, $0x9  }
0xad: {  	p1 =	sne.s32 s31, $0x7;
	s5 =	sadd.s32 s3, s5;
	s6 =	sadd.s32 $0x40000, s30  }
0xae: {  	[hbm4b:s5+s4] =	stream.linear.scatter [tilespmem:s20], [sflag:$0x4], $0x2000, $0x38;
	[tilespmem:$0x10C00] =	vst v63  }
.Ltmp4:
0xaf: {  	s6 =	sshrl.u32 s6, $0x3;
	s5 =	sadd.s32 $0x80000, s30;
	(pc) =	sbr.rel @p1 .LBB2_8-.Ltmp4, $4  }
0xb0: {  	s6 =	sadd.s32 s3, s6;
	s5 =	sshrl.u32 s5, $0x3  }
0xb1: {  	[hbm4b:s6+s4] =	stream.linear.scatter [tilespmem:s21], [sflag:$0x4], $0x2000, $0x38;
	[tilespmem:$0x10C00] =	vst v63  }
0xb2: {  	s5 =	sadd.s32 s3, s5  }
0xb3: {  	[hbm4b:s5+s4] =	stream.linear.scatter [tilespmem:s22], [sflag:$0x4], $0x2000, $0x38;
	[tilespmem:$0x10C00] =	vst v63  }
.Ltmp5:
0xb4: {  	(pc) =	sbr.rel .LBB2_9-.Ltmp5, $4  }
0xb5: {  	_ = 	snop  }
0xb6: {  	_ =	swait.ge [sflag:s23], $0x2000  }
0xb7: {  	[sflag:s23] =	ssyncset.done $0x0  }
0xb8: {  	[sflag:s23] =	ssyncadd.s32 $0xFFFFE000  }
.LBB2_8:
0xb9: {  	s5 =	sadd.s32 s2, s12  }
0xba: {  	s5 =	sshrl.u32 s5, $0x3  }
.Ltmp6:
0xbb: {  	s6 =	simm.s32 $0xC00;
	s5 =	sadd.s32 s1, s5;
	(pc) =	sbr.rel @p0 .LBB2_10-.Ltmp6, $4  }
0xbc: {  	[tilespmem:s6], [sflag:$0x2] =	stream.linear.gather [hbm4b:s5+s4], $0x2000, $0x38;
	[tilespmem:$0x10C00] =	vst v63  }
0xbd: {  	_ =	swait.ge [sflag:s23], $0x2000  }
0xbe: {  	[sflag:s23] =	ssyncset.done $0x0  }
0xbf: {  	[sflag:s23] =	ssyncadd.s32 $0xFFFFE000  }
.LBB2_9:
0xc0: {  	_ =	swait.ge [sflag:s24], $0x2000  }
0xc1: {  	[sflag:s24] =	ssyncset.done $0x0  }
0xc2: {  	[sflag:s24] =	ssyncadd.s32 $0xFFFFE000  }
0xc3: {  	_ =	swait.ge [sflag:s24], $0x2000  }
0xc4: {  	[sflag:s24] =	ssyncset.done $0x0  }
0xc5: {  	[sflag:s24] =	ssyncadd.s32 $0xFFFFE000  }
0xc6: {  	_ =	swait.ge [sflag:s24], $0x2000  }
0xc7: {  	[sflag:s24] =	ssyncset.done $0x0  }
0xc8: {  	[sflag:s24] =	ssyncadd.s32 $0xFFFFE000  }
.LBB2_10:
0xc9: {  	s5 =	simm.s32 $0x0;
	s6 =	simm.s32 $0x0  }
.LBB2_11:
0xca: {  	s7 =	sshll.u32 s6, $0x9;
	s8 =	sshll.u32 s6, $0x7  }
0xcb: {  	s10 =	simm.s32 $0x0;
	s7 =	sand.u32 $0x1000, s7;
	s8 =	sand.u32 $0x380, s8  }
0xcc: {  	s10 =	sand.u32 $0x40, s10;
	s11 =	sor.u32 s7, s8  }
0xcd: {  	s14 =	sand.u32 $0xC00, s5;
	s7 =	sor.u32 s10, s11  }
0xce: {  	s10 =	sor.u32 s14, s7  }
0xcf: {  	v0 =	vld [tilespmem:s10+$0x2C30];
	_ =	sdelay $0x1  }
0xd0: {  	v1 =	vld [tilespmem:s10+$0x2C00]  }
0xd1: {  	v2 =	vld [tilespmem:s10+$0x2C10];
	_ =	sdelay $0x1  }
0xd2: {  	v0 =	vmul.f32 $1.024000000e+03, v0  }
0xd3: {  	v3 =	vld [tilespmem:s10+$0x2C20]  }
0xd4: {  	v1 =	vmul.f32 $1.024000000e+03, v1;
	v0 =	vadd.f32 $8.388608000e+06, v0  }
0xd5: {  	v2 =	vmul.f32 $1.024000000e+03, v2  }
0xd6: {  	v1 =	vadd.f32 $8.388608000e+06, v1;
	v0 =	vadd.f32 $-8.388608000e+06, v0  }
0xd7: {  	s17 =	simm.s32 $0x40;
	v2 =	vadd.f32 $8.388608000e+06, v2  }
0xd8: {  	s30 =	simm.s32 $0x200;
	s7 =	sand.u32 $0x40, s17;
	v3 =	vmul.f32 $1.024000000e+03, v3;
	v1 =	vadd.f32 $-8.388608000e+06, v1;
	v0 =	vmax.f32 v0, $0.0e+00  }
0xd9: {  	s8 =	sand.u32 $0xC00, s30;
	s7 =	sor.u32 s7, s11;
	v2 =	vadd.f32 $-8.388608000e+06, v2;
	v0 =	vmin.f32 v0, $1.023000000e+03  }
0xda: {  	s7 =	sor.u32 s8, s7;
	v3 =	vadd.f32 $8.388608000e+06, v3;
	v1 =	vmax.f32 v1, $0.0e+00;
	v0 =	vtrunc.f32 v0  }
0xdb: {  	v2 =	vmax.f32 v2, $0.0e+00;
	v4 =	vcvt.f32.s32 v0;
	v0 =	vmin.f32 v1, $1.023000000e+03;
	v1 =	vld [tilespmem:s7+$0x2C30]  }
0xdc: {  	v3 =	vadd.f32 $-8.388608000e+06, v3;
	v2 =	vmin.f32 v2, $1.023000000e+03  }
0xdd: {  	v6 =	vld [tilespmem:s7+$0x2C00];
	v2 =	vtrunc.f32 v2;
	v0 =	vtrunc.f32 v0  }
0xde: {  	v5 =	vcvt.f32.s32 v0;
	v0 =	vcvt.f32.s32 v2;
	v2 =	vmax.f32 v3, $0.0e+00;
	v3 =	vld [tilespmem:s7+$0x2C10]  }
0xdf: {  	v7 =	vld [tilespmem:s7+$0x2C20]  }
0xe0: {  	v2 =	vmin.f32 v2, $1.023000000e+03;
	v8 =	vmul.f32 $1.024000000e+03, v1  }
0xe1: {  	v1 =	vtrunc.f32 v2;
	v2 =	vld.idx.msk [tilespmem:v4+s4+$0x0], $0xffff  }
0xe2: {  	s8 =	simm.s32 $0x80;
	v6 =	vmul.f32 $1.024000000e+03, v6;
	v8 =	vadd.f32 $8.388608000e+06, v8  }
0xe3: {  	s29 =	simm.s32 $0x400;
	s14 =	sand.u32 $0x40, s8;
	v1 =	vcvt.f32.s32 v1;
	v3 =	vmul.f32 $1.024000000e+03, v3  }
0xe4: {  	s30 =	sand.u32 $0xC00, s29;
	s14 =	sor.u32 s14, s11;
	v7 =	vmul.f32 $1.024000000e+03, v7;
	v6 =	vadd.f32 $8.388608000e+06, v6;
	v9 =	vld.idx.msk [tilespmem:v5+s4+$0x0], $0xffff;
	v8 =	vadd.f32 $-8.388608000e+06, v8  }
0xe5: {  	s14 =	sor.u32 s30, s14;
	v10 =	vld.idx.msk [tilespmem:v0+s4+$0x0], $0xffff;
	v3 =	vadd.f32 $8.388608000e+06, v3  }
0xe6: {  	v12 =	vld [tilespmem:s14+$0x2C30];
	v7 =	vadd.f32 $8.388608000e+06, v7;
	v6 =	vadd.f32 $-8.388608000e+06, v6;
	[tilespmem:s10+$0x6C30] =	vst v2;
	v2 =	vmax.f32 v8, $0.0e+00  }
0xe7: {  	v3 =	vadd.f32 $-8.388608000e+06, v3;
	v8 =	vld.idx.msk [tilespmem:v4+s15+$0x0], $0xffff;
	v2 =	vmin.f32 v2, $1.023000000e+03  }
0xe8: {  	v13 =	vld [tilespmem:s14+$0x2C00];
	v7 =	vadd.f32 $-8.388608000e+06, v7;
	v6 =	vmax.f32 v6, $0.0e+00;
	v2 =	vtrunc.f32 v2  }
0xe9: {  	v6 =	vmin.f32 v6, $1.023000000e+03;
	v11 =	vld.idx.msk [tilespmem:v1+s4+$0x0], $0xffff;
	[tilespmem:s10+$0x6C00] =	vst v9;
	v3 =	vmax.f32 v3, $0.0e+00;
	v2 =	vcvt.f32.s32 v2  }
0xea: {  	v7 =	vmax.f32 v7, $0.0e+00;
	v6 =	vtrunc.f32 v6;
	[tilespmem:s10+$0x6C10] =	vst v10;
	v9 =	vld.idx.msk [tilespmem:v5+s15+$0x0], $0xffff;
	v3 =	vmin.f32 v3, $1.023000000e+03  }
0xeb: {  	v7 =	vmin.f32 v7, $1.023000000e+03;
	v6 =	vcvt.f32.s32 v6;
	v10 =	vld.idx.msk [tilespmem:v0+s15+$0x0], $0xffff;
	v3 =	vtrunc.f32 v3  }
0xec: {  	v7 =	vtrunc.f32 v7;
	v3 =	vcvt.f32.s32 v3;
	[tilespmem:s10+$0xAC30] =	vst v8;
	v8 =	vld [tilespmem:s14+$0x2C10]  }
0xed: {  	v14 =	vld.idx.msk [tilespmem:v4+s16+$0x0], $0xffff;
	v4 =	vcvt.f32.s32 v7  }
0xee: {  	v15 =	vld [tilespmem:s14+$0x2C20]  }
0xef: {  	[tilespmem:s10+$0x6C20] =	vst v11;
	v11 =	vmul.f32 $1.024000000e+03, v12;
	v7 =	vld.idx.msk [tilespmem:v2+s4+$0x0], $0xffff  }
0xf0: {  	v12 =	vld.idx.msk [tilespmem:v1+s15+$0x0], $0xffff  }
0xf1: {  	v13 =	vmul.f32 $1.024000000e+03, v13;
	v16 =	vadd.f32 $8.388608000e+06, v11;
	v11 =	vld.idx.msk [tilespmem:v6+s4+$0x0], $0xffff;
	[tilespmem:s10+$0xAC00] =	vst v9  }
0xf2: {  	[tilespmem:s10+$0xAC10] =	vst v10;
	v9 =	vld.idx.msk [tilespmem:v3+s4+$0x0], $0xffff;
	v10 =	vmul.f32 $1.024000000e+03, v8  }
0xf3: {  	v13 =	vadd.f32 $8.388608000e+06, v13;
	v16 =	vadd.f32 $-8.388608000e+06, v16;
	[tilespmem:s10+$0xEC30] =	vst v14;
	v8 =	vld.idx.msk [tilespmem:v4+s4+$0x0], $0xffff  }
0xf4: {  	v15 =	vmul.f32 $1.024000000e+03, v15;
	v14 =	vadd.f32 $8.388608000e+06, v10;
	[tilespmem:s7+$0x6C30] =	vst v7;
	v7 =	vld.idx.msk [tilespmem:v5+s16+$0x0], $0xffff  }
0xf5: {  	v13 =	vadd.f32 $-8.388608000e+06, v13;
	v16 =	vmax.f32 v16, $0.0e+00;
	v5 =	vmov v6;
	v10 =	vld.idx.msk [tilespmem:v2+s15+$0x0], $0xffff  }
.LBB2_12:
0xf6: {  	s8 =	sadd.s32 $0x40, s8;
	v14 =	vadd.f32 $-8.388608000e+06, v14;
	v15 =	vadd.f32 $8.388608000e+06, v15;
	v16 =	vmin.f32 v16, $1.023000000e+03;
	v17 =	vld.idx.msk [tilespmem:v0+s16+$0x0], $0xffff;
	[tilespmem:s10+$0xAC20] =	vst v12;
	v0 =	vmovc v3  }
0xf7: {  	v12 =	vmax.f32 v13, $0.0e+00;
	s29 =	sadd.s32 $0x200, s29;
	s30 =	sand.u32 $0x40, s8;
	p0 =	slt.u32 s8, $0x1C0;
	v13 =	vtrunc.f32 v16;
	[tilespmem:s7+$0x6C00] =	vst v11;
	v11 =	vld.idx.msk [tilespmem:v1+s16+$0x0], $0xffff;
	v1 =	vmov v4  }
0xf8: {  	s17 =	sand.u32 $0xC00, s29;
	s30 =	sor.u32 s30, s11;
	v4 =	vmax.f32 v14, $0.0e+00;
	v14 =	vadd.f32 $-8.388608000e+06, v15;
	v13 =	vcvt.f32.s32 v13;
	v15 =	vld.idx.msk [tilespmem:v6+s15+$0x0], $0xffff;
	[tilespmem:s7+$0x6C10] =	vst v9  }
0xf9: {  	v6 =	vmin.f32 v12, $1.023000000e+03;
	s17 =	sor.u32 s17, s30;
	v4 =	vmin.f32 v4, $1.023000000e+03;
	v9 =	vld.idx.msk [tilespmem:v3+s15+$0x0], $0xffff;
	[tilespmem:s7+$0x6C20] =	vst v8  }
0xfa: {  	v3 =	vtrunc.f32 v6;
	v8 =	vld [tilespmem:s17+$0x2C30];
	v4 =	vtrunc.f32 v4;
	v12 =	vmax.f32 v14, $0.0e+00;
	[tilespmem:s10+$0xEC00] =	vst v7  }
0xfb: {  	v6 =	vcvt.f32.s32 v3;
	v7 =	vld [tilespmem:s17+$0x2C00];
	v3 =	vcvt.f32.s32 v4;
	v4 =	vmin.f32 v12, $1.023000000e+03;
	[tilespmem:s7+$0xAC30] =	vst v10  }
0xfc: {  	v4 =	vtrunc.f32 v4;
	v10 =	vld.idx.msk [tilespmem:v2+s16+$0x0], $0xffff;
	[tilespmem:s10+$0xEC10] =	vst v17;
	v2 =	vmov v13  }
0xfd: {  	v14 =	vld [tilespmem:s17+$0x2C10];
	v4 =	vcvt.f32.s32 v4;
	[tilespmem:s10+$0xEC20] =	vst v11;
	s10 =	smov.u32 s7;
	s7 =	smov.u32 s14;
	s14 =	smov.u32 s17  }
0xfe: {  	v16 =	vld.idx.msk [tilespmem:v13+s4+$0x0], $0xffff;
	[tilespmem:s10+$0xAC00] =	vst v15  }
0xff: {  	v15 =	vld [tilespmem:s14+$0x2C20];
	v8 =	vmul.f32 $1.024000000e+03, v8;
	[tilespmem:s10+$0xAC10] =	vst v9  }
0x100: {  	v7 =	vmul.f32 $1.024000000e+03, v7;
	v12 =	vld.idx.msk [tilespmem:v1+s15+$0x0], $0xffff  }
.Ltmp7:
0x101: {  	v8 =	vadd.f32 $8.388608000e+06, v8;
	v11 =	vld.idx.msk [tilespmem:v6+s4+$0x0], $0xffff;
	(pc) =	sbr.rel @p0 .LBB2_12-.Ltmp7, $4  }
0x102: {  	v7 =	vadd.f32 $8.388608000e+06, v7;
	v14 =	vmul.f32 $1.024000000e+03, v14;
	v9 =	vld.idx.msk [tilespmem:v3+s4+$0x0], $0xffff;
	[tilespmem:s10+$0xEC30] =	vst v10  }
0x103: {  	v10 =	vadd.f32 $-8.388608000e+06, v8;
	v8 =	vld.idx.msk [tilespmem:v4+s4+$0x0], $0xffff  }
0x104: {  	v13 =	vadd.f32 $-8.388608000e+06, v7;
	v14 =	vadd.f32 $8.388608000e+06, v14;
	v15 =	vmul.f32 $1.024000000e+03, v15;
	[tilespmem:s7+$0x6C30] =	vst v16;
	v7 =	vld.idx.msk [tilespmem:v5+s16+$0x0], $0xffff;
	v5 =	vmovc v6  }
0x105: {  	v16 =	vmax.f32 v10, $0.0e+00;
	v10 =	vld.idx.msk [tilespmem:v2+s15+$0x0], $0xffff  }
0x106: {  	v15 =	vadd.f32 $8.388608000e+06, v15  }
0x107: {  	v14 =	vadd.f32 $-8.388608000e+06, v14;
	v16 =	vmin.f32 v16, $1.023000000e+03  }
0x108: {  	v13 =	vmax.f32 v13, $0.0e+00;
	v16 =	vtrunc.f32 v16;
	v15 =	vadd.f32 $-8.388608000e+06, v15  }
0x109: {  	v13 =	vmin.f32 v13, $1.023000000e+03;
	v14 =	vmax.f32 v14, $0.0e+00;
	v16 =	vcvt.f32.s32 v16  }
0x10a: {  	[tilespmem:s10+$0xAC20] =	vst v12;
	v13 =	vtrunc.f32 v13;
	v42 =	vmin.f32 v14, $1.023000000e+03;
	v43 =	vmax.f32 v15, $0.0e+00  }
0x10b: {  	v0 =	vld.idx.msk [tilespmem:v0+s16+$0x0], $0xffff;
	[tilespmem:s7+$0x6C00] =	vst v11;
	v45 =	vcvt.f32.s32 v13;
	v44 =	vtrunc.f32 v42;
	v46 =	vmin.f32 v43, $1.023000000e+03  }
0x10c: {  	v1 =	vld.idx.msk [tilespmem:v1+s16+$0x0], $0xffff;
	[tilespmem:s7+$0x6C10] =	vst v9;
	v47 =	vcvt.f32.s32 v44;
	v48 =	vtrunc.f32 v46  }
0x10d: {  	v6 =	vld.idx.msk [tilespmem:v6+s15+$0x0], $0xffff;
	[tilespmem:s7+$0x6C20] =	vst v8;
	v49 =	vcvt.f32.s32 v48  }
0x10e: {  	v50 =	vld.idx.msk [tilespmem:v3+s15+$0x0], $0xffff;
	[tilespmem:s10+$0xEC00] =	vst v7  }
0x10f: {  	v55 =	vld.idx.msk [tilespmem:v4+s15+$0x0], $0xffff;
	[tilespmem:s7+$0xAC30] =	vst v10  }
0x110: {  	[tilespmem:s10+$0xEC10] =	vst v0;
	v51 =	vld.idx.msk [tilespmem:v16+s4+$0x0], $0xffff  }
0x111: {  	[tilespmem:s10+$0xEC20] =	vst v1;
	v52 =	vld.idx.msk [tilespmem:v45+s4+$0x0], $0xffff  }
0x112: {  	[tilespmem:s7+$0xAC00] =	vst v6;
	v53 =	vld.idx.msk [tilespmem:v47+s4+$0x0], $0xffff  }
0x113: {  	[tilespmem:s7+$0xAC10] =	vst v50;
	v54 =	vld.idx.msk [tilespmem:v49+s4+$0x0], $0xffff  }
0x114: {  	v2 =	vld.idx.msk [tilespmem:v2+s16+$0x0], $0xffff;
	[tilespmem:s7+$0xAC20] =	vst v55  }
0x115: {  	v56 =	vld.idx.msk [tilespmem:v5+s16+$0x0], $0xffff;
	[tilespmem:s14+$0x6C30] =	vst v51  }
0x116: {  	v57 =	vld.idx.msk [tilespmem:v16+s15+$0x0], $0xffff;
	[tilespmem:s14+$0x6C00] =	vst v52  }
0x117: {  	v1 =	vld.idx.msk [tilespmem:v45+s15+$0x0], $0xffff;
	[tilespmem:s14+$0x6C10] =	vst v53  }
0x118: {  	v58 =	vld.idx.msk [tilespmem:v47+s15+$0x0], $0xffff;
	[tilespmem:s14+$0x6C20] =	vst v54  }
0x119: {  	[tilespmem:s7+$0xEC30] =	vst v2;
	v59 =	vld.idx.msk [tilespmem:v49+s15+$0x0], $0xffff  }
0x11a: {  	v60 =	vld.idx.msk [tilespmem:v3+s16+$0x0], $0xffff;
	[tilespmem:s7+$0xEC00] =	vst v56  }
0x11b: {  	v61 =	vld.idx.msk [tilespmem:v4+s16+$0x0], $0xffff;
	[tilespmem:s14+$0xAC30] =	vst v57  }
0x11c: {  	v2 =	vld.idx.msk [tilespmem:v16+s16+$0x0], $0xffff;
	[tilespmem:s14+$0xAC00] =	vst v1  }
0x11d: {  	v1 =	vld.idx.msk [tilespmem:v45+s16+$0x0], $0xffff;
	[tilespmem:s14+$0xAC10] =	vst v58  }
0x11e: {  	s6 =	sadd.s32 $0x1, s6;
	v62 =	vld.idx.msk [tilespmem:v47+s16+$0x0], $0xffff;
	[tilespmem:s14+$0xAC20] =	vst v59  }
0x11f: {  	p0 =	sne.s32 s6, $0x10;
	[tilespmem:s7+$0xEC10] =	vst v60;
	v63 =	vld.idx.msk [tilespmem:v49+s16+$0x0], $0xffff  }
.Ltmp8:
0x120: {  	[tilespmem:s7+$0xEC20] =	vst v61;
	(pc) =	sbr.rel @p0 .LBB2_11-.Ltmp8, $4  }
0x121: {  	[tilespmem:s14+$0xEC30] =	vst v2  }
0x122: {  	[tilespmem:s14+$0xEC00] =	vst v1  }
0x123: {  	[tilespmem:s14+$0xEC10] =	vst v62  }
0x124: {  	[tilespmem:s14+$0xEC20] =	vst v63  }
0x125: {  	s0 =	sor.u32 $0x10, s0  }
0x126: {  	s5 =	sshll.u32 s0, $0x6;
	s0 =	sshll.u32 s0, $0x9  }
0x127: {  	p0 =	seq.s32 s31, $0x7;
	s5 =	sadd.s32 s3, s5;
	s30 =	sadd.s32 $0x40000, s0  }
0x128: {  	[hbm4b:s5+s4] =	stream.linear.scatter [tilespmem:s25], [sflag:$0x5], $0x2000, $0x38;
	[tilespmem:$0x10C00] =	vst v63  }
.Ltmp9:
0x129: {  	s0 =	sadd.s32 $0x80000, s0;
	s5 =	sshrl.u32 s30, $0x3;
	(pc) =	sbr.rel @p0 .LBB2_16-.Ltmp9, $4  }
0x12a: {  	s0 =	sshrl.u32 s0, $0x3;
	s5 =	sadd.s32 s3, s5  }
0x12b: {  	[hbm4b:s5+s4] =	stream.linear.scatter [tilespmem:s26], [sflag:$0x5], $0x2000, $0x38;
	[tilespmem:$0x10C00] =	vst v63  }
0x12c: {  	s0 =	sadd.s32 s3, s0  }
0x12d: {  	[hbm4b:s0+s4] =	stream.linear.scatter [tilespmem:s28], [sflag:$0x5], $0x2000, $0x38;
	[tilespmem:$0x10C00] =	vst v63  }
.Ltmp10:
0x12e: {  	(pc) =	sbr.rel .LBB2_2-.Ltmp10, $4  }
0x12f: {  	s0 =	sadd.s32 s2, s13  }
0x130: {  	s0 =	sshrl.u32 s0, $0x3  }
0x131: {  	s31 =	sadd.s32 $0x1, s31;
	s0 =	sadd.s32 s1, s0  }
0x132: {  	[tilespmem:s18], [sflag:$0x3] =	stream.linear.gather [hbm4b:s0+s4], $0x2000, $0x38;
	[tilespmem:$0x10C00] =	vst v63  }
.LBB2_17:
0x133: {  	_ =	sfence.sel $0x180000  }
0x134: {  	[bflag:$0x0] =	sbarrier.arrive $0xFFFF  }
0x135: {  	_ =	strace $0x90000047  }
0x136: {  	s0 =	stileid.u32;
	[bflag:$0x2] =	sbarrier.arrive $0xFFFF  }
0x137: {  	p0 =	sne.s32 s0, $0x0;
	s0 =	rddreg [dreg:$0x3]  }
0x138: {  	s0 =	sadd.s32 @!p0 $0x100000, s0  }
0x139: {  	[sflag:s0] =	ssyncadd.tile.s32 @!p0 $0x1;
	_ =	shalt  }
.Lfunc_end2:
_tile_overlayer_lowered:
.L_overlay_start_2:
0x13a: {  	(tag) =	ssettag $0x2  }
0x13b: {  	s0 =	rddreg [dreg:$0x0];
	s2 =	stileid.u32  }
0x13c: {  	s1 =	rddreg [dreg:$0x1];
	p0 =	sne.s32 s2, $0x0  }
0x13d: {  	s3 =	rddreg [dreg:$0x2];
	[bflag:$0x3] =	sbarrier.arrive $0xFFFF;
	s2 =	simm.s32 @!p0 $0x1C06  }
0x13e: {  	[timem:s3], [sflag:s2] =	dma.local @!p0 [hbm:s0], s1  }
0x13f: {  	s0 =	simm.s32 @!p0 $0x6  }
0x140: {  	_ =	swait.ge @!p0 [sflag:s0], s1  }
0x141: {  	s1 =	ssub.s32 @!p0 $0x0, s1;
	[sflag:s0] =	ssyncset.done @!p0 $0x0  }
0x142: {  	[sflag:s0] =	ssyncadd.s32 @!p0 s1  }
0x143: {  	[bflag:$0x3] =	sbarrier.arrive $0xFFFF  }
0x144: {  	_ =	shalt  }

</sc_bundles>
